<compile_context>
chip_gen: v7x
topology: tpu7x:2x2x1
jax: 0.10.2.dev20260603
libtpu: 0.0.44.dev20260713+nightly
codegen_flags: <defaults>
</compile_context>

<pallas_src>
import numpy as np
import jax
import jax.numpy as jnp
from jax.experimental import pallas as pl
from jax.experimental.pallas import tpu as pltpu

NN = 10000
NP = 10240
BN = 1024
BK = 1024
H = 8
HC = 8
DV = 8
HID = 64
XW = HID + H * HC * DV
KHOP = 3
CST = 1e-5
NUM_TIMESTEPS = 128.0
RESCALE = 4000.0
BE = 8192


def _routing_consts():
    R = np.zeros((64, 512), np.float32)
    T = np.zeros((64, 512), np.float32)
    S = np.zeros((512, 64), np.float32)
    CH = np.zeros((64, 64), np.float32)
    for h in range(H):
        for i in range(HC):
            for j in range(DV):
                c = h * 64 + i * 8 + j
                R[h * 8 + i, c] = 1.0
                T[h * 8 + j, c] = 1.0
                S[c, h * 8 + j] = 1.0
    for a in range(64):
        for b in range(64):
            if a // 8 == b // 8:
                CH[a, b] = 1.0
    return (jnp.asarray(R), jnp.asarray(T), jnp.asarray(S), jnp.asarray(CH))


def _k1(x_ref, ts_ref, Win_ref, bin_ref, Wq_ref, bq_ref, Wk_ref, bk_ref,
        Wv_ref, bv_ref, Wt1_ref, bt1_ref, Wt2_ref, bt2_ref, R_ref, T_ref,
        hw0_ref, X0_ref, Q_ref, hid_ref):
    t = ts_ref[0, 0] / NUM_TIMESTEPS * RESCALE
    c = jax.lax.broadcasted_iota(jnp.int32, (8, HID), 1).astype(jnp.float32)
    fidx = jnp.where(c < 32.0, c, c - 32.0)
    freqs = jnp.exp(fidx * (-np.log(10000.0) / 31.0))
    ang = t * freqs
    temb0 = jnp.where(c < 32.0, jnp.sin(ang), jnp.cos(ang))
    a1 = temb0 @ Wt1_ref[...] + bt1_ref[...]
    a1 = a1 * jax.nn.sigmoid(a1)
    temb = (a1 @ Wt2_ref[...] + bt2_ref[...])[0:1]
    h = jnp.maximum(x_ref[...] @ Win_ref[...] + bin_ref[...] + temb, 0.0)

    def elu1p(z):
        return jnp.where(z > 0, 1.0 + z, jnp.exp(jnp.minimum(z, 0.0)))

    q = elu1p(h @ Wq_ref[...] + bq_ref[...])
    kf = elu1p(h @ Wk_ref[...] + bk_ref[...])
    v = h @ Wv_ref[...] + bv_ref[...]
    m = (kf @ R_ref[...]) * (v @ T_ref[...])
    X0_ref[:, 0:HID] = kf
    X0_ref[:, HID:XW] = m
    Q_ref[...] = q
    hid_ref[...] = v * hw0_ref[0, 0]


def _hop(P_ref, X_ref, Q_ref, hin_ref, R_ref, S_ref, CH_ref, gam_ref,
         Xn_ref, hout_ref, *, nk):
    k = pl.program_id(1)
    part = jnp.dot(P_ref[...], X_ref[...], preferred_element_type=jnp.float32)

    @pl.when(k == 0)
    def _():
        Xn_ref[...] = part

    @pl.when(k != 0)
    def _():
        Xn_ref[...] += part

    @pl.when(k == nk - 1)
    def _():
        xn = Xn_ref[...]
        kf = xn[:, 0:HID]
        m = xn[:, HID:XW]
        q = Q_ref[...]
        qm = (q @ R_ref[...]) * m
        hm = qm @ S_ref[...]
        denom = (q * kf) @ CH_ref[...] + CST
        hout_ref[...] = hin_ref[...] + gam_ref[...] * (hm / denom)


def _kout(hid_ref, Wo_ref, bo_ref, out_ref):
    out_ref[...] = hid_ref[...] @ Wo_ref[...] + bo_ref[...]


def _khead(e_ref, W1_ref, b1_ref, W2_ref, b2_ref, out_ref):
    a = e_ref[...] @ W1_ref[...] + b1_ref[...]
    a = a * jax.nn.sigmoid(a)
    out_ref[...] = a @ W2_ref[...] + b2_ref[...]


def _full(shape):
    return pl.BlockSpec(shape, lambda *_: tuple(0 for _ in shape))


def kernel(x, time_steps, edge_index, full_edge_index, W_in, b_in, Wq, bq,
           Wk, bk, Wv, bv, Wt1, bt1, Wt2, bt2, W_out, b_out, Wf1, bf1,
           Wf2, bf2, hopwise, headwise):
    E = edge_index.shape[1]
    row, col = edge_index[0], edge_index[1]
    deg = jnp.zeros((NN,), jnp.float32).at[col].add(1.0)
    deg_inv = jnp.where(deg > 0, 1.0 / deg, 0.0)
    P = jnp.zeros((NP, NP), jnp.float32).at[col, row].add(deg_inv[row])

    xp = jnp.zeros((NP, x.shape[1]), jnp.float32).at[:NN].set(x)
    R, T, S, CH = _routing_consts()
    lw = jax.nn.softmax(headwise, axis=0)
    gammas = [jnp.repeat(hopwise[h + 1] * lw[:, h], DV).reshape(1, HID)
              for h in range(KHOP)]
    ts = time_steps.reshape(1, 1)
    r1 = lambda b: b.reshape(1, -1)

    ni = NP // BN
    X0, Q, hid = pl.pallas_call(
        _k1,
        grid=(ni,),
        in_specs=[
            pl.BlockSpec((BN, x.shape[1]), lambda i: (i, 0)),
            _full((1, 1)),
            _full(W_in.shape), _full((1, HID)),
            _full(Wq.shape), _full((1, HID)),
            _full(Wk.shape), _full((1, HID)),
            _full(Wv.shape), _full((1, HID)),
            _full(Wt1.shape), _full((1, 4 * HID)),
            _full(Wt2.shape), _full((1, HID)),
            _full(R.shape), _full(T.shape),
            _full((1, 1)),
        ],
        out_specs=[
            pl.BlockSpec((BN, XW), lambda i: (i, 0)),
            pl.BlockSpec((BN, HID), lambda i: (i, 0)),
            pl.BlockSpec((BN, HID), lambda i: (i, 0)),
        ],
        out_shape=[
            jax.ShapeDtypeStruct((NP, XW), jnp.float32),
            jax.ShapeDtypeStruct((NP, HID), jnp.float32),
            jax.ShapeDtypeStruct((NP, HID), jnp.float32),
        ],
    )(xp, ts, W_in, r1(b_in), Wq, r1(bq), Wk, r1(bk), Wv, r1(bv),
      Wt1, r1(bt1), Wt2, r1(bt2), R, T, hopwise[0].reshape(1, 1))

    nk = NP // BK
    import functools
    hop_fn = functools.partial(_hop, nk=nk)
    X = X0
    for h in range(KHOP):
        X, hid = pl.pallas_call(
            hop_fn,
            grid=(ni, nk),
            in_specs=[
                pl.BlockSpec((BN, BK), lambda i, k: (i, k)),
                pl.BlockSpec((BK, XW), lambda i, k: (k, 0)),
                pl.BlockSpec((BN, HID), lambda i, k: (i, 0)),
                pl.BlockSpec((BN, HID), lambda i, k: (i, 0)),
                pl.BlockSpec(R.shape, lambda i, k: (0, 0)),
                pl.BlockSpec(S.shape, lambda i, k: (0, 0)),
                pl.BlockSpec(CH.shape, lambda i, k: (0, 0)),
                pl.BlockSpec((1, HID), lambda i, k: (0, 0)),
            ],
            out_specs=[
                pl.BlockSpec((BN, XW), lambda i, k: (i, 0)),
                pl.BlockSpec((BN, HID), lambda i, k: (i, 0)),
            ],
            out_shape=[
                jax.ShapeDtypeStruct((NP, XW), jnp.float32),
                jax.ShapeDtypeStruct((NP, HID), jnp.float32),
            ],
            compiler_params=pltpu.CompilerParams(
                dimension_semantics=("parallel", "arbitrary")),
        )(P, X, Q, hid, R, S, CH, gammas[h])

    hid8 = pl.pallas_call(
        _kout,
        grid=(ni,),
        in_specs=[
            pl.BlockSpec((BN, HID), lambda i: (i, 0)),
            _full(W_out.shape), _full((1, DV)),
        ],
        out_specs=pl.BlockSpec((BN, DV), lambda i: (i, 0)),
        out_shape=jax.ShapeDtypeStruct((NP, DV), jnp.float32),
    )(hid, W_out, r1(b_out))[:NN]

    src, dst = full_edge_index[0], full_edge_index[1]
    e_in = jnp.concatenate([hid8[src], hid8[dst]], axis=-1)
    EP = ((E + BE - 1) // BE) * BE
    e_pad = jnp.zeros((EP, 2 * DV), jnp.float32).at[:E].set(e_in)
    logits = pl.pallas_call(
        _khead,
        grid=(EP // BE,),
        in_specs=[
            pl.BlockSpec((BE, 2 * DV), lambda i: (i, 0)),
            _full(Wf1.shape), _full((1, DV)),
            _full(Wf2.shape), _full((1, 1)),
        ],
        out_specs=pl.BlockSpec((BE, 1), lambda i: (i, 0)),
        out_shape=jax.ShapeDtypeStruct((EP, 1), jnp.float32),
    )(e_pad, Wf1, r1(bf1), Wf2, r1(bf2))[:E]

    return (logits, hid8)

# --- scband reference (transcript-rebuilt; emitter-appended) ---
"""Pipeline reference for scband-mstagnn-63333587746842 (READ-ONLY COPY).

The authoritative reference and input builder live on the scoring server;
editing this copy changes nothing except your own understanding.
"""

import jax, jax.numpy as jnp
import numpy as np

N = 10000
E = 160000
D_IN = 128
HID = 64
H = 8
HC = HID // H
DV = HC
KHOP = 3
OUT = 1
NUM_TIMESTEPS = 128.0
RESCALE = 4000.0
CST = 1e-5

def _lin(k, fan_in, fan_out):
    kw, kb = jax.random.split(k)
    s = 1.0 / np.sqrt(fan_in)
    W = jax.random.uniform(kw, (fan_in, fan_out), minval=-s, maxval=s, dtype=jnp.float32)
    b = jax.random.uniform(kb, (fan_out,), minval=-s, maxval=s, dtype=jnp.float32)
    return W, b

def setup_inputs(seed: int = 0):
    key = jax.random.key(seed)
    ks = jax.random.split(key, 16)
    inp = {}
    inp["x"] = jax.random.normal(ks[0], (N, D_IN), dtype=jnp.float32)
    inp["time_steps"] = jax.random.uniform(ks[1], (1,), dtype=jnp.float32) * NUM_TIMESTEPS
    inp["edge_index"] = jax.random.randint(ks[2], (2, E), 0, N, dtype=jnp.int32)
    inp["full_edge_index"] = jax.random.randint(ks[3], (2, E), 0, N, dtype=jnp.int32)
    inp["W_in"], inp["b_in"] = _lin(ks[4], D_IN, HID)
    inp["Wq"], inp["bq"] = _lin(ks[5], HID, H * HC)
    inp["Wk"], inp["bk"] = _lin(ks[6], HID, H * HC)
    inp["Wv"], inp["bv"] = _lin(ks[7], HID, H * DV)
    inp["Wt1"], inp["bt1"] = _lin(ks[8], HID, 4 * HID)
    inp["Wt2"], inp["bt2"] = _lin(ks[9], 4 * HID, HID)
    inp["W_out"], inp["b_out"] = _lin(ks[10], DV * H, DV)
    inp["Wf1"], inp["bf1"] = _lin(ks[11], 2 * DV, DV)
    inp["Wf2"], inp["bf2"] = _lin(ks[12], DV, OUT)
    inp["hopwise"] = jnp.ones((KHOP + 1,), dtype=jnp.float32)
    inp["headwise"] = jnp.zeros((H, KHOP), dtype=jnp.float32)
    return inp

def reference(x, time_steps, edge_index, full_edge_index, W_in, b_in, Wq, bq, Wk, bk, Wv, bv, Wt1, bt1, Wt2, bt2, W_out, b_out, Wf1, bf1, Wf2, bf2, hopwise, headwise):
    row, col = edge_index[0], edge_index[1]
    deg = jax.ops.segment_sum(jnp.ones((E,), jnp.float32), col, num_segments=N)
    deg_inv = jnp.where(deg > 0, 1.0 / deg, 0.0)
    norm = deg_inv[row]
    # sinusoidal time embedding
    t = time_steps / NUM_TIMESTEPS * RESCALE
    half = HID // 2
    freqs = jnp.exp(jnp.arange(half, dtype=jnp.float32) * (-np.log(10000.0) / (half - 1)))
    ang = t[:, None] * freqs[None, :]
    temb = jnp.concatenate([jnp.sin(ang), jnp.cos(ang)], axis=-1)
    temb = jax.nn.silu(temb @ Wt1 + bt1) @ Wt2 + bt2
    h = jax.nn.relu(x @ W_in + b_in + temb)
    Q = 1.0 + jax.nn.elu(h @ Wq + bq)
    Kf = 1.0 + jax.nn.elu(h @ Wk + bk)
    V = h @ Wv + bv
    Q = Q.reshape(-1, H, HC)
    Kf = Kf.reshape(-1, H, HC)
    V = V.reshape(-1, H, DV)
    M = jnp.einsum('nhi,nhj->nhij', Kf, V)
    hidden = V * hopwise[0]
    layerwise = jax.nn.softmax(headwise, axis=0)
    for hop in range(KHOP):
        M = jax.ops.segment_sum(M[row] * norm[:, None, None, None], col, num_segments=N)
        Kf = jax.ops.segment_sum(Kf[row] * norm[:, None, None], col, num_segments=N)
        Hm = jnp.einsum('nhi,nhij->nhj', Q, M)
        C = jnp.einsum('nhi,nhi->nh', Q, Kf)[..., None] + CST
        Hm = Hm / C
        gamma = hopwise[hop + 1] * layerwise[:, hop][:, None]
        hidden = hidden + gamma * Hm
    hidden = hidden.reshape(-1, DV * H) @ W_out + b_out
    src, dst = full_edge_index[0], full_edge_index[1]
    e = jnp.concatenate([hidden[src], hidden[dst]], axis=-1)
    e = jax.nn.silu(e @ Wf1 + bf1)
    edge_logits = e @ Wf2 + bf2
    return (edge_logits, hidden)

if __name__ == "__main__":
    import jax
    _d = setup_inputs()
    print(jax.jit(kernel)(*tuple(_d.values())))

</pallas_src>

<mosaic_0001>
module attributes {stable_mosaic.version = 14 : i64} {
  func.func @_k1(%arg0: i32, %arg1: memref<1024x128xf32, #tpu.memory_space<vmem>>, %arg2: memref<1x1xf32, #tpu.memory_space<vmem>>, %arg3: memref<128x64xf32, #tpu.memory_space<vmem>>, %arg4: memref<1x64xf32, #tpu.memory_space<vmem>>, %arg5: memref<64x64xf32, #tpu.memory_space<vmem>>, %arg6: memref<1x64xf32, #tpu.memory_space<vmem>>, %arg7: memref<64x64xf32, #tpu.memory_space<vmem>>, %arg8: memref<1x64xf32, #tpu.memory_space<vmem>>, %arg9: memref<64x64xf32, #tpu.memory_space<vmem>>, %arg10: memref<1x64xf32, #tpu.memory_space<vmem>>, %arg11: memref<64x256xf32, #tpu.memory_space<vmem>>, %arg12: memref<1x256xf32, #tpu.memory_space<vmem>>, %arg13: memref<256x64xf32, #tpu.memory_space<vmem>>, %arg14: memref<1x64xf32, #tpu.memory_space<vmem>>, %arg15: memref<64x512xf32, #tpu.memory_space<vmem>>, %arg16: memref<64x512xf32, #tpu.memory_space<vmem>>, %arg17: memref<1x1xf32, #tpu.memory_space<vmem>>, %arg18: memref<1024x576xf32, #tpu.memory_space<vmem>>, %arg19: memref<1024x64xf32, #tpu.memory_space<vmem>>, %arg20: memref<1024x64xf32, #tpu.memory_space<vmem>>) attributes {dimension_semantics = [#tpu.dimension_semantics<arbitrary>], iteration_bounds = array<i64: 10>, scalar_prefetch = 0 : i64, scratch_operands = 0 : i64, tpu.core_type = #tpu.core_type<tc>, window_params = [{transform_indices = @transform_0, window_bounds = array<i64: 1024, 128>}, {pipeline_mode = #tpu.pipeline_mode<synchronous>, transform_indices = @transform_1, window_bounds = array<i64: 1, 1>}, {pipeline_mode = #tpu.pipeline_mode<synchronous>, transform_indices = @transform_2, window_bounds = array<i64: 128, 64>}, {pipeline_mode = #tpu.pipeline_mode<synchronous>, transform_indices = @transform_3, window_bounds = array<i64: 1, 64>}, {pipeline_mode = #tpu.pipeline_mode<synchronous>, transform_indices = @transform_4, window_bounds = array<i64: 64, 64>}, {pipeline_mode = #tpu.pipeline_mode<synchronous>, transform_indices = @transform_5, window_bounds = array<i64: 1, 64>}, {pipeline_mode = #tpu.pipeline_mode<synchronous>, transform_indices = @transform_6, window_bounds = array<i64: 64, 64>}, {pipeline_mode = #tpu.pipeline_mode<synchronous>, transform_indices = @transform_7, window_bounds = array<i64: 1, 64>}, {pipeline_mode = #tpu.pipeline_mode<synchronous>, transform_indices = @transform_8, window_bounds = array<i64: 64, 64>}, {pipeline_mode = #tpu.pipeline_mode<synchronous>, transform_indices = @transform_9, window_bounds = array<i64: 1, 64>}, {pipeline_mode = #tpu.pipeline_mode<synchronous>, transform_indices = @transform_10, window_bounds = array<i64: 64, 256>}, {pipeline_mode = #tpu.pipeline_mode<synchronous>, transform_indices = @transform_11, window_bounds = array<i64: 1, 256>}, {pipeline_mode = #tpu.pipeline_mode<synchronous>, transform_indices = @transform_12, window_bounds = array<i64: 256, 64>}, {pipeline_mode = #tpu.pipeline_mode<synchronous>, transform_indices = @transform_13, window_bounds = array<i64: 1, 64>}, {pipeline_mode = #tpu.pipeline_mode<synchronous>, transform_indices = @transform_14, window_bounds = array<i64: 64, 512>}, {pipeline_mode = #tpu.pipeline_mode<synchronous>, transform_indices = @transform_15, window_bounds = array<i64: 64, 512>}, {pipeline_mode = #tpu.pipeline_mode<synchronous>, transform_indices = @transform_16, window_bounds = array<i64: 1, 1>}, {transform_indices = @transform_17, window_bounds = array<i64: 1024, 576>}, {transform_indices = @transform_18, window_bounds = array<i64: 1024, 64>}, {transform_indices = @transform_19, window_bounds = array<i64: 1024, 64>}]} {
    %get3A = arith.constant 0 : index
    %get3A_0 = arith.constant 0 : index
    %get3A_1 = vector.load %arg2[%get3A, %get3A_0] : memref<1x1xf32, #tpu.memory_space<vmem>>, vector<1x1xf32>
    %get3A_2 = vector.extract %get3A_1[0, 0] : f32 from vector<1x1xf32>
    %div3A = arith.constant 1.280000e+02 : f32
    %div3A_3 = arith.divf %get3A_2, %div3A : f32
    %mul3A = arith.constant 4.000000e+03 : f32
    %mul3A_4 = arith.mulf %div3A_3, %mul3A : f32
    %iota3A = tpu.iota {dimensions = array<i32: 1>} : vector<8x64xi32>
    %convert_element_type3A = arith.sitofp %iota3A : vector<8x64xi32> to vector<8x64xf32>
    %lt3A = arith.constant 3.200000e+01 : f32
    %lt3A_5 = vector.broadcast %lt3A : f32 to vector<8x64xf32>
    %lt3A_6 = arith.cmpf olt, %convert_element_type3A, %lt3A_5 : vector<8x64xf32>
    %sub3A = arith.constant 3.200000e+01 : f32
    %sub3A_7 = vector.broadcast %sub3A : f32 to vector<8x64xf32>
    %sub3A_8 = arith.subf %convert_element_type3A, %sub3A_7 : vector<8x64xf32>
    %select_n3A = arith.select %lt3A_6, %convert_element_type3A, %sub3A_8 : vector<8x64xi1>, vector<8x64xf32>
    %mul3A_9 = arith.constant -0.297107756 : f32
    %mul3A_10 = vector.broadcast %mul3A_9 : f32 to vector<8x64xf32>
    %mul3A_11 = arith.mulf %select_n3A, %mul3A_10 : vector<8x64xf32>
    %exp3A = math.exp %mul3A_11 : vector<8x64xf32>
    %mul3A_12 = vector.broadcast %mul3A_4 : f32 to vector<8x64xf32>
    %mul3A_13 = arith.mulf %mul3A_12, %exp3A : vector<8x64xf32>
    %lt3A_14 = arith.constant 3.200000e+01 : f32
    %lt3A_15 = vector.broadcast %lt3A_14 : f32 to vector<8x64xf32>
    %lt3A_16 = arith.cmpf olt, %convert_element_type3A, %lt3A_15 : vector<8x64xf32>
    %sin3A = math.sin %mul3A_13 : vector<8x64xf32>
    %cos3A = math.cos %mul3A_13 : vector<8x64xf32>
    %select_n3A_17 = arith.select %lt3A_16, %sin3A, %cos3A : vector<8x64xi1>, vector<8x64xf32>
    %get3A_18 = arith.constant 0 : index
    %get3A_19 = arith.constant 0 : index
    %get3A_20 = vector.load %arg11[%get3A_18, %get3A_19] : memref<64x256xf32, #tpu.memory_space<vmem>>, vector<64x256xf32>
    %dot_general3A = arith.constant dense<0.000000e+00> : vector<8x256xf32>
    %dot_general3A_21 = tpu.matmul %select_n3A_17, %get3A_20, %dot_general3A {dimension_numbers = #tpu.dot_dimension_numbers<[1], [0], [0], [1], [0, 0, 1, 1], [], []>, transpose_lhs_hint = false} : vector<8x64xf32>, vector<64x256xf32>, vector<8x256xf32> -> vector<8x256xf32>
    %get3A_22 = arith.constant 0 : index
    %get3A_23 = arith.constant 0 : index
    %get3A_24 = vector.load %arg12[%get3A_22, %get3A_23] : memref<1x256xf32, #tpu.memory_space<vmem>>, vector<1x256xf32>
    %add3A = vector.broadcast %get3A_24 : vector<1x256xf32> to vector<8x256xf32>
    %add3A_25 = arith.addf %dot_general3A_21, %add3A : vector<8x256xf32>
    %logistic3A = arith.negf %add3A_25 : vector<8x256xf32>
    %logistic3A_26 = math.exp %logistic3A : vector<8x256xf32>
    %logistic3A_27 = arith.constant 1.000000e+00 : f32
    %logistic3A_28 = vector.broadcast %logistic3A_27 : f32 to vector<8x256xf32>
    %logistic3A_29 = arith.addf %logistic3A_28, %logistic3A_26 : vector<8x256xf32>
    %logistic3A_30 = arith.divf %logistic3A_28, %logistic3A_29 : vector<8x256xf32>
    %mul3A_31 = arith.mulf %add3A_25, %logistic3A_30 : vector<8x256xf32>
    %get3A_32 = arith.constant 0 : index
    %get3A_33 = arith.constant 0 : index
    %get3A_34 = vector.load %arg13[%get3A_32, %get3A_33] : memref<256x64xf32, #tpu.memory_space<vmem>>, vector<256x64xf32>
    %dot_general3A_35 = arith.constant dense<0.000000e+00> : vector<8x64xf32>
    %dot_general3A_36 = tpu.matmul %mul3A_31, %get3A_34, %dot_general3A_35 {dimension_numbers = #tpu.dot_dimension_numbers<[1], [0], [0], [1], [0, 0, 1, 1], [], []>, transpose_lhs_hint = false} : vector<8x256xf32>, vector<256x64xf32>, vector<8x64xf32> -> vector<8x64xf32>
    %get3A_37 = arith.constant 0 : index
    %get3A_38 = arith.constant 0 : index
    %get3A_39 = vector.load %arg14[%get3A_37, %get3A_38] : memref<1x64xf32, #tpu.memory_space<vmem>>, vector<1x64xf32>
    %add3A_40 = vector.broadcast %get3A_39 : vector<1x64xf32> to vector<8x64xf32>
    %add3A_41 = arith.addf %dot_general3A_36, %add3A_40 : vector<8x64xf32>
    %slice3A = vector.extract_strided_slice %add3A_41 {offsets = [0, 0], sizes = [1, 64], strides = [1, 1]} : vector<8x64xf32> to vector<1x64xf32>
    %get3A_42 = arith.constant 0 : index
    %get3A_43 = arith.constant 0 : index
    %get3A_44 = vector.load %arg1[%get3A_42, %get3A_43] : memref<1024x128xf32, #tpu.memory_space<vmem>>, vector<1024x128xf32>
    %get3A_45 = arith.constant 0 : index
    %get3A_46 = arith.constant 0 : index
    %get3A_47 = vector.load %arg3[%get3A_45, %get3A_46] : memref<128x64xf32, #tpu.memory_space<vmem>>, vector<128x64xf32>
    %dot_general3A_48 = arith.constant dense<0.000000e+00> : vector<1024x64xf32>
    %dot_general3A_49 = tpu.matmul %get3A_44, %get3A_47, %dot_general3A_48 {dimension_numbers = #tpu.dot_dimension_numbers<[1], [0], [0], [1], [0, 0, 1, 1], [], []>, transpose_lhs_hint = false} : vector<1024x128xf32>, vector<128x64xf32>, vector<1024x64xf32> -> vector<1024x64xf32>
    %get3A_50 = arith.constant 0 : index
    %get3A_51 = arith.constant 0 : index
    %get3A_52 = vector.load %arg4[%get3A_50, %get3A_51] : memref<1x64xf32, #tpu.memory_space<vmem>>, vector<1x64xf32>
    %add3A_53 = vector.broadcast %get3A_52 : vector<1x64xf32> to vector<1024x64xf32>
    %add3A_54 = arith.addf %dot_general3A_49, %add3A_53 : vector<1024x64xf32>
    %add3A_55 = vector.broadcast %slice3A : vector<1x64xf32> to vector<1024x64xf32>
    %add3A_56 = arith.addf %add3A_54, %add3A_55 : vector<1024x64xf32>
    %max3A = arith.constant 0.000000e+00 : f32
    %max3A_57 = vector.broadcast %max3A : f32 to vector<1024x64xf32>
    %max3A_58 = arith.maximumf %add3A_56, %max3A_57 : vector<1024x64xf32>
    %get3A_59 = arith.constant 0 : index
    %get3A_60 = arith.constant 0 : index
    %get3A_61 = vector.load %arg5[%get3A_59, %get3A_60] : memref<64x64xf32, #tpu.memory_space<vmem>>, vector<64x64xf32>
    %dot_general3A_62 = arith.constant dense<0.000000e+00> : vector<1024x64xf32>
    %dot_general3A_63 = tpu.matmul %max3A_58, %get3A_61, %dot_general3A_62 {dimension_numbers = #tpu.dot_dimension_numbers<[1], [0], [0], [1], [0, 0, 1, 1], [], []>, transpose_lhs_hint = false} : vector<1024x64xf32>, vector<64x64xf32>, vector<1024x64xf32> -> vector<1024x64xf32>
    %get3A_64 = arith.constant 0 : index
    %get3A_65 = arith.constant 0 : index
    %get3A_66 = vector.load %arg6[%get3A_64, %get3A_65] : memref<1x64xf32, #tpu.memory_space<vmem>>, vector<1x64xf32>
    %add3A_67 = vector.broadcast %get3A_66 : vector<1x64xf32> to vector<1024x64xf32>
    %add3A_68 = arith.addf %dot_general3A_63, %add3A_67 : vector<1024x64xf32>
    %gt3A = arith.constant 0.000000e+00 : f32
    %gt3A_69 = vector.broadcast %gt3A : f32 to vector<1024x64xf32>
    %gt3A_70 = arith.cmpf ogt, %add3A_68, %gt3A_69 : vector<1024x64xf32>
    %add3A_71 = arith.constant 1.000000e+00 : f32
    %add3A_72 = vector.broadcast %add3A_71 : f32 to vector<1024x64xf32>
    %add3A_73 = arith.addf %add3A_72, %add3A_68 : vector<1024x64xf32>
    %min3A = arith.constant 0.000000e+00 : f32
    %min3A_74 = vector.broadcast %min3A : f32 to vector<1024x64xf32>
    %min3A_75 = arith.minimumf %add3A_68, %min3A_74 : vector<1024x64xf32>
    %exp3A_76 = math.exp %min3A_75 : vector<1024x64xf32>
    %select_n3A_77 = arith.select %gt3A_70, %add3A_73, %exp3A_76 : vector<1024x64xi1>, vector<1024x64xf32>
    %get3A_78 = arith.constant 0 : index
    %get3A_79 = arith.constant 0 : index
    %get3A_80 = vector.load %arg7[%get3A_78, %get3A_79] : memref<64x64xf32, #tpu.memory_space<vmem>>, vector<64x64xf32>
    %dot_general3A_81 = arith.constant dense<0.000000e+00> : vector<1024x64xf32>
    %dot_general3A_82 = tpu.matmul %max3A_58, %get3A_80, %dot_general3A_81 {dimension_numbers = #tpu.dot_dimension_numbers<[1], [0], [0], [1], [0, 0, 1, 1], [], []>, transpose_lhs_hint = false} : vector<1024x64xf32>, vector<64x64xf32>, vector<1024x64xf32> -> vector<1024x64xf32>
    %get3A_83 = arith.constant 0 : index
    %get3A_84 = arith.constant 0 : index
    %get3A_85 = vector.load %arg8[%get3A_83, %get3A_84] : memref<1x64xf32, #tpu.memory_space<vmem>>, vector<1x64xf32>
    %add3A_86 = vector.broadcast %get3A_85 : vector<1x64xf32> to vector<1024x64xf32>
    %add3A_87 = arith.addf %dot_general3A_82, %add3A_86 : vector<1024x64xf32>
    %gt3A_88 = arith.constant 0.000000e+00 : f32
    %gt3A_89 = vector.broadcast %gt3A_88 : f32 to vector<1024x64xf32>
    %gt3A_90 = arith.cmpf ogt, %add3A_87, %gt3A_89 : vector<1024x64xf32>
    %add3A_91 = arith.constant 1.000000e+00 : f32
    %add3A_92 = vector.broadcast %add3A_91 : f32 to vector<1024x64xf32>
    %add3A_93 = arith.addf %add3A_92, %add3A_87 : vector<1024x64xf32>
    %min3A_94 = arith.constant 0.000000e+00 : f32
    %min3A_95 = vector.broadcast %min3A_94 : f32 to vector<1024x64xf32>
    %min3A_96 = arith.minimumf %add3A_87, %min3A_95 : vector<1024x64xf32>
    %exp3A_97 = math.exp %min3A_96 : vector<1024x64xf32>
    %select_n3A_98 = arith.select %gt3A_90, %add3A_93, %exp3A_97 : vector<1024x64xi1>, vector<1024x64xf32>
    %get3A_99 = arith.constant 0 : index
    %get3A_100 = arith.constant 0 : index
    %get3A_101 = vector.load %arg9[%get3A_99, %get3A_100] : memref<64x64xf32, #tpu.memory_space<vmem>>, vector<64x64xf32>
    %dot_general3A_102 = arith.constant dense<0.000000e+00> : vector<1024x64xf32>
    %dot_general3A_103 = tpu.matmul %max3A_58, %get3A_101, %dot_general3A_102 {dimension_numbers = #tpu.dot_dimension_numbers<[1], [0], [0], [1], [0, 0, 1, 1], [], []>, transpose_lhs_hint = false} : vector<1024x64xf32>, vector<64x64xf32>, vector<1024x64xf32> -> vector<1024x64xf32>
    %get3A_104 = arith.constant 0 : index
    %get3A_105 = arith.constant 0 : index
    %get3A_106 = vector.load %arg10[%get3A_104, %get3A_105] : memref<1x64xf32, #tpu.memory_space<vmem>>, vector<1x64xf32>
    %add3A_107 = vector.broadcast %get3A_106 : vector<1x64xf32> to vector<1024x64xf32>
    %add3A_108 = arith.addf %dot_general3A_103, %add3A_107 : vector<1024x64xf32>
    %get3A_109 = arith.constant 0 : index
    %get3A_110 = arith.constant 0 : index
    %get3A_111 = vector.load %arg15[%get3A_109, %get3A_110] : memref<64x512xf32, #tpu.memory_space<vmem>>, vector<64x512xf32>
    %dot_general3A_112 = arith.constant dense<0.000000e+00> : vector<1024x512xf32>
    %dot_general3A_113 = tpu.matmul %select_n3A_98, %get3A_111, %dot_general3A_112 {dimension_numbers = #tpu.dot_dimension_numbers<[1], [0], [0], [1], [0, 0, 1, 1], [], []>, transpose_lhs_hint = false} : vector<1024x64xf32>, vector<64x512xf32>, vector<1024x512xf32> -> vector<1024x512xf32>
    %get3A_114 = arith.constant 0 : index
    %get3A_115 = arith.constant 0 : index
    %get3A_116 = vector.load %arg16[%get3A_114, %get3A_115] : memref<64x512xf32, #tpu.memory_space<vmem>>, vector<64x512xf32>
    %dot_general3A_117 = arith.constant dense<0.000000e+00> : vector<1024x512xf32>
    %dot_general3A_118 = tpu.matmul %add3A_108, %get3A_116, %dot_general3A_117 {dimension_numbers = #tpu.dot_dimension_numbers<[1], [0], [0], [1], [0, 0, 1, 1], [], []>, transpose_lhs_hint = false} : vector<1024x64xf32>, vector<64x512xf32>, vector<1024x512xf32> -> vector<1024x512xf32>
    %mul3A_119 = arith.mulf %dot_general3A_113, %dot_general3A_118 : vector<1024x512xf32>
    %swap3A = arith.constant 0 : index
    %swap3A_120 = arith.constant 0 : index
    %swap3A_121 = vector.load %arg18[%swap3A, %swap3A_120] : memref<1024x576xf32, #tpu.memory_space<vmem>>, vector<1024x64xf32>
    tpu.vector_store %arg18[%swap3A, %swap3A_120], %select_n3A_98 {strides = array<i32>} : memref<1024x576xf32, #tpu.memory_space<vmem>>, vector<1024x64xf32>,
    %swap3A_122 = arith.constant 0 : index
    %swap3A_123 = arith.constant 64 : index
    %swap3A_124 = vector.load %arg18[%swap3A_122, %swap3A_123] : memref<1024x576xf32, #tpu.memory_space<vmem>>, vector<1024x512xf32>
    tpu.vector_store %arg18[%swap3A_122, %swap3A_123], %mul3A_119 {strides = array<i32>} : memref<1024x576xf32, #tpu.memory_space<vmem>>, vector<1024x512xf32>,
    %swap3A_125 = arith.constant 0 : index
    %swap3A_126 = arith.constant 0 : index
    %swap3A_127 = vector.load %arg19[%swap3A_125, %swap3A_126] : memref<1024x64xf32, #tpu.memory_space<vmem>>, vector<1024x64xf32>
    tpu.vector_store %arg19[%swap3A_125, %swap3A_126], %select_n3A_77 {strides = array<i32>} : memref<1024x64xf32, #tpu.memory_space<vmem>>, vector<1024x64xf32>,
    %get3A_128 = arith.constant 0 : index
    %get3A_129 = arith.constant 0 : index
    %get3A_130 = vector.load %arg17[%get3A_128, %get3A_129] : memref<1x1xf32, #tpu.memory_space<vmem>>, vector<1x1xf32>
    %get3A_131 = vector.extract %get3A_130[0, 0] : f32 from vector<1x1xf32>
    %mul3A_132 = vector.broadcast %get3A_131 : f32 to vector<1024x64xf32>
    %mul3A_133 = arith.mulf %add3A_108, %mul3A_132 : vector<1024x64xf32>
    %swap3A_134 = arith.constant 0 : index
    %swap3A_135 = arith.constant 0 : index
    %swap3A_136 = vector.load %arg20[%swap3A_134, %swap3A_135] : memref<1024x64xf32, #tpu.memory_space<vmem>>, vector<1024x64xf32>
    tpu.vector_store %arg20[%swap3A_134, %swap3A_135], %mul3A_133 {strides = array<i32>} : memref<1024x64xf32, #tpu.memory_space<vmem>>, vector<1024x64xf32>,
    return
  }
  func.func @transform_0(%arg0: i32) -> (i32, i32) {
    %c0_i32 = arith.constant 0 : i32
    %c0_i32_0 = arith.constant 0 : i32
    return %arg0, %c0_i32 : i32, i32
  }
  func.func @transform_1(%arg0: i32) -> (i32, i32) {
    %c0_i32 = arith.constant 0 : i32
    %c0_i32_0 = arith.constant 0 : i32
    %c0_i32_1 = arith.constant 0 : i32
    return %c0_i32, %c0_i32_0 : i32, i32
  }
  func.func @transform_2(%arg0: i32) -> (i32, i32) {
    %c0_i32 = arith.constant 0 : i32
    %c0_i32_0 = arith.constant 0 : i32
    %c0_i32_1 = arith.constant 0 : i32
    return %c0_i32, %c0_i32_0 : i32, i32
  }
  func.func @transform_3(%arg0: i32) -> (i32, i32) {
    %c0_i32 = arith.constant 0 : i32
    %c0_i32_0 = arith.constant 0 : i32
    %c0_i32_1 = arith.constant 0 : i32
    return %c0_i32, %c0_i32_0 : i32, i32
  }
  func.func @transform_4(%arg0: i32) -> (i32, i32) {
    %c0_i32 = arith.constant 0 : i32
    %c0_i32_0 = arith.constant 0 : i32
    %c0_i32_1 = arith.constant 0 : i32
    return %c0_i32, %c0_i32_0 : i32, i32
  }
  func.func @transform_5(%arg0: i32) -> (i32, i32) {
    %c0_i32 = arith.constant 0 : i32
    %c0_i32_0 = arith.constant 0 : i32
    %c0_i32_1 = arith.constant 0 : i32
    return %c0_i32, %c0_i32_0 : i32, i32
  }
  func.func @transform_6(%arg0: i32) -> (i32, i32) {
    %c0_i32 = arith.constant 0 : i32
    %c0_i32_0 = arith.constant 0 : i32
    %c0_i32_1 = arith.constant 0 : i32
    return %c0_i32, %c0_i32_0 : i32, i32
  }
  func.func @transform_7(%arg0: i32) -> (i32, i32) {
    %c0_i32 = arith.constant 0 : i32
    %c0_i32_0 = arith.constant 0 : i32
    %c0_i32_1 = arith.constant 0 : i32
    return %c0_i32, %c0_i32_0 : i32, i32
  }
  func.func @transform_8(%arg0: i32) -> (i32, i32) {
    %c0_i32 = arith.constant 0 : i32
    %c0_i32_0 = arith.constant 0 : i32
    %c0_i32_1 = arith.constant 0 : i32
    return %c0_i32, %c0_i32_0 : i32, i32
  }
  func.func @transform_9(%arg0: i32) -> (i32, i32) {
    %c0_i32 = arith.constant 0 : i32
    %c0_i32_0 = arith.constant 0 : i32
    %c0_i32_1 = arith.constant 0 : i32
    return %c0_i32, %c0_i32_0 : i32, i32
  }
  func.func @transform_10(%arg0: i32) -> (i32, i32) {
    %c0_i32 = arith.constant 0 : i32
    %c0_i32_0 = arith.constant 0 : i32
    %c0_i32_1 = arith.constant 0 : i32
    return %c0_i32, %c0_i32_0 : i32, i32
  }
  func.func @transform_11(%arg0: i32) -> (i32, i32) {
    %c0_i32 = arith.constant 0 : i32
    %c0_i32_0 = arith.constant 0 : i32
    %c0_i32_1 = arith.constant 0 : i32
    return %c0_i32, %c0_i32_0 : i32, i32
  }
  func.func @transform_12(%arg0: i32) -> (i32, i32) {
    %c0_i32 = arith.constant 0 : i32
    %c0_i32_0 = arith.constant 0 : i32
    %c0_i32_1 = arith.constant 0 : i32
    return %c0_i32, %c0_i32_0 : i32, i32
  }
  func.func @transform_13(%arg0: i32) -> (i32, i32) {
    %c0_i32 = arith.constant 0 : i32
    %c0_i32_0 = arith.constant 0 : i32
    %c0_i32_1 = arith.constant 0 : i32
    return %c0_i32, %c0_i32_0 : i32, i32
  }
  func.func @transform_14(%arg0: i32) -> (i32, i32) {
    %c0_i32 = arith.constant 0 : i32
    %c0_i32_0 = arith.constant 0 : i32
    %c0_i32_1 = arith.constant 0 : i32
    return %c0_i32, %c0_i32_0 : i32, i32
  }
  func.func @transform_15(%arg0: i32) -> (i32, i32) {
    %c0_i32 = arith.constant 0 : i32
    %c0_i32_0 = arith.constant 0 : i32
    %c0_i32_1 = arith.constant 0 : i32
    return %c0_i32, %c0_i32_0 : i32, i32
  }
  func.func @transform_16(%arg0: i32) -> (i32, i32) {
    %c0_i32 = arith.constant 0 : i32
    %c0_i32_0 = arith.constant 0 : i32
    %c0_i32_1 = arith.constant 0 : i32
    return %c0_i32, %c0_i32_0 : i32, i32
  }
  func.func @transform_17(%arg0: i32) -> (i32, i32) {
    %c0_i32 = arith.constant 0 : i32
    %c0_i32_0 = arith.constant 0 : i32
    return %arg0, %c0_i32 : i32, i32
  }
  func.func @transform_18(%arg0: i32) -> (i32, i32) {
    %c0_i32 = arith.constant 0 : i32
    %c0_i32_0 = arith.constant 0 : i32
    return %arg0, %c0_i32 : i32, i32
  }
  func.func @transform_19(%arg0: i32) -> (i32, i32) {
    %c0_i32 = arith.constant 0 : i32
    %c0_i32_0 = arith.constant 0 : i32
    return %arg0, %c0_i32 : i32, i32
  }
}

module attributes {stable_mosaic.version = 14 : i64} {
  func.func @_hop(%arg0: i32, %arg1: i32, %arg2: memref<1024x1024xf32, #tpu.memory_space<vmem>>, %arg3: memref<1024x576xf32, #tpu.memory_space<vmem>>, %arg4: memref<1024x64xf32, #tpu.memory_space<vmem>>, %arg5: memref<1024x64xf32, #tpu.memory_space<vmem>>, %arg6: memref<64x512xf32, #tpu.memory_space<vmem>>, %arg7: memref<512x64xf32, #tpu.memory_space<vmem>>, %arg8: memref<64x64xf32, #tpu.memory_space<vmem>>, %arg9: memref<1x64xf32, #tpu.memory_space<vmem>>, %arg10: memref<1024x576xf32, #tpu.memory_space<vmem>>, %arg11: memref<1024x64xf32, #tpu.memory_space<vmem>>) attributes {dimension_semantics = [#tpu.dimension_semantics<parallel>, #tpu.dimension_semantics<arbitrary>], iteration_bounds = array<i64: 10, 10>, scalar_prefetch = 0 : i64, scratch_operands = 0 : i64, tpu.core_type = #tpu.core_type<tc>, window_params = [{transform_indices = @transform_0, window_bounds = array<i64: 1024, 1024>}, {transform_indices = @transform_1, window_bounds = array<i64: 1024, 576>}, {transform_indices = @transform_2, window_bounds = array<i64: 1024, 64>}, {transform_indices = @transform_3, window_bounds = array<i64: 1024, 64>}, {pipeline_mode = #tpu.pipeline_mode<synchronous>, transform_indices = @transform_4, window_bounds = array<i64: 64, 512>}, {pipeline_mode = #tpu.pipeline_mode<synchronous>, transform_indices = @transform_5, window_bounds = array<i64: 512, 64>}, {pipeline_mode = #tpu.pipeline_mode<synchronous>, transform_indices = @transform_6, window_bounds = array<i64: 64, 64>}, {pipeline_mode = #tpu.pipeline_mode<synchronous>, transform_indices = @transform_7, window_bounds = array<i64: 1, 64>}, {transform_indices = @transform_8, window_bounds = array<i64: 1024, 576>}, {transform_indices = @transform_9, window_bounds = array<i64: 1024, 64>}]} {
    %get3A = arith.constant 0 : index
    %get3A_0 = arith.constant 0 : index
    %get3A_1 = vector.load %arg2[%get3A, %get3A_0] : memref<1024x1024xf32, #tpu.memory_space<vmem>>, vector<1024x1024xf32>
    %get3A_2 = arith.constant 0 : index
    %get3A_3 = arith.constant 0 : index
    %get3A_4 = vector.load %arg3[%get3A_2, %get3A_3] : memref<1024x576xf32, #tpu.memory_space<vmem>>, vector<1024x576xf32>
    %dot_general3A = arith.constant dense<0.000000e+00> : vector<1024x576xf32>
    %dot_general3A_5 = tpu.matmul %get3A_1, %get3A_4, %dot_general3A {dimension_numbers = #tpu.dot_dimension_numbers<[1], [0], [0], [1], [0, 0, 1, 1], [], []>, transpose_lhs_hint = false} : vector<1024x1024xf32>, vector<1024x576xf32>, vector<1024x576xf32> -> vector<1024x576xf32>
    %eq3A = arith.constant 0 : i32
    %eq3A_6 = arith.cmpi eq, %arg1, %eq3A : i32
    %convert_element_type3A = arith.extui %eq3A_6 : i1 to i32
    %cond3A = arith.constant 0 : i32
    %cond3A_7 = arith.cmpi ne, %convert_element_type3A, %cond3A : i32
    scf.if %cond3A_7 {
      %swap3A = arith.constant 0 : index
      %swap3A_17 = arith.constant 0 : index
      %swap3A_18 = vector.load %arg10[%swap3A, %swap3A_17] : memref<1024x576xf32, #tpu.memory_space<vmem>>, vector<1024x576xf32>
      tpu.vector_store %arg10[%swap3A, %swap3A_17], %dot_general3A_5 {strides = array<i32>} : memref<1024x576xf32, #tpu.memory_space<vmem>>, vector<1024x576xf32>,
    } else {
    }
    %ne3A = arith.constant 0 : i32
    %ne3A_8 = arith.cmpi ne, %arg1, %ne3A : i32
    %convert_element_type3A_9 = arith.extui %ne3A_8 : i1 to i32
    %cond3A_10 = arith.constant 0 : i32
    %cond3A_11 = arith.cmpi ne, %convert_element_type3A_9, %cond3A_10 : i32
    scf.if %cond3A_11 {
      %get3A_17 = arith.constant 0 : index
      %get3A_18 = arith.constant 0 : index
      %get3A_19 = vector.load %arg10[%get3A_17, %get3A_18] : memref<1024x576xf32, #tpu.memory_space<vmem>>, vector<1024x576xf32>
      %add3A = arith.addf %get3A_19, %dot_general3A_5 : vector<1024x576xf32>
      %swap3A = arith.constant 0 : index
      %swap3A_20 = arith.constant 0 : index
      %swap3A_21 = vector.load %arg10[%swap3A, %swap3A_20] : memref<1024x576xf32, #tpu.memory_space<vmem>>, vector<1024x576xf32>
      tpu.vector_store %arg10[%swap3A, %swap3A_20], %add3A {strides = array<i32>} : memref<1024x576xf32, #tpu.memory_space<vmem>>, vector<1024x576xf32>,
    } else {
    }
    %eq3A_12 = arith.constant 9 : i32
    %eq3A_13 = arith.cmpi eq, %arg1, %eq3A_12 : i32
    %convert_element_type3A_14 = arith.extui %eq3A_13 : i1 to i32
    %cond3A_15 = arith.constant 0 : i32
    %cond3A_16 = arith.cmpi ne, %convert_element_type3A_14, %cond3A_15 : i32
    scf.if %cond3A_16 {
      %get3A_17 = arith.constant 0 : index
      %get3A_18 = arith.constant 0 : index
      %get3A_19 = vector.load %arg10[%get3A_17, %get3A_18] : memref<1024x576xf32, #tpu.memory_space<vmem>>, vector<1024x576xf32>
      %slice3A = vector.extract_strided_slice %get3A_19 {offsets = [0, 0], sizes = [1024, 64], strides = [1, 1]} : vector<1024x576xf32> to vector<1024x64xf32>
      %slice3A_20 = vector.extract_strided_slice %get3A_19 {offsets = [0, 64], sizes = [1024, 512], strides = [1, 1]} : vector<1024x576xf32> to vector<1024x512xf32>
      %get3A_21 = arith.constant 0 : index
      %get3A_22 = arith.constant 0 : index
      %get3A_23 = vector.load %arg4[%get3A_21, %get3A_22] : memref<1024x64xf32, #tpu.memory_space<vmem>>, vector<1024x64xf32>
      %get3A_24 = arith.constant 0 : index
      %get3A_25 = arith.constant 0 : index
      %get3A_26 = vector.load %arg6[%get3A_24, %get3A_25] : memref<64x512xf32, #tpu.memory_space<vmem>>, vector<64x512xf32>
      %dot_general3A_27 = arith.constant dense<0.000000e+00> : vector<1024x512xf32>
      %dot_general3A_28 = tpu.matmul %get3A_23, %get3A_26, %dot_general3A_27 {dimension_numbers = #tpu.dot_dimension_numbers<[1], [0], [0], [1], [0, 0, 1, 1], [], []>, transpose_lhs_hint = false} : vector<1024x64xf32>, vector<64x512xf32>, vector<1024x512xf32> -> vector<1024x512xf32>
      %mul3A = arith.mulf %dot_general3A_28, %slice3A_20 : vector<1024x512xf32>
      %get3A_29 = arith.constant 0 : index
      %get3A_30 = arith.constant 0 : index
      %get3A_31 = vector.load %arg7[%get3A_29, %get3A_30] : memref<512x64xf32, #tpu.memory_space<vmem>>, vector<512x64xf32>
      %dot_general3A_32 = arith.constant dense<0.000000e+00> : vector<1024x64xf32>
      %dot_general3A_33 = tpu.matmul %mul3A, %get3A_31, %dot_general3A_32 {dimension_numbers = #tpu.dot_dimension_numbers<[1], [0], [0], [1], [0, 0, 1, 1], [], []>, transpose_lhs_hint = false} : vector<1024x512xf32>, vector<512x64xf32>, vector<1024x64xf32> -> vector<1024x64xf32>
      %mul3A_34 = arith.mulf %get3A_23, %slice3A : vector<1024x64xf32>
      %get3A_35 = arith.constant 0 : index
      %get3A_36 = arith.constant 0 : index
      %get3A_37 = vector.load %arg8[%get3A_35, %get3A_36] : memref<64x64xf32, #tpu.memory_space<vmem>>, vector<64x64xf32>
      %dot_general3A_38 = arith.constant dense<0.000000e+00> : vector<1024x64xf32>
      %dot_general3A_39 = tpu.matmul %mul3A_34, %get3A_37, %dot_general3A_38 {dimension_numbers = #tpu.dot_dimension_numbers<[1], [0], [0], [1], [0, 0, 1, 1], [], []>, transpose_lhs_hint = false} : vector<1024x64xf32>, vector<64x64xf32>, vector<1024x64xf32> -> vector<1024x64xf32>
      %add3A = arith.constant 9.99999974E-6 : f32
      %add3A_40 = vector.broadcast %add3A : f32 to vector<1024x64xf32>
      %add3A_41 = arith.addf %dot_general3A_39, %add3A_40 : vector<1024x64xf32>
      %get3A_42 = arith.constant 0 : index
      %get3A_43 = arith.constant 0 : index
      %get3A_44 = vector.load %arg5[%get3A_42, %get3A_43] : memref<1024x64xf32, #tpu.memory_space<vmem>>, vector<1024x64xf32>
      %get3A_45 = arith.constant 0 : index
      %get3A_46 = arith.constant 0 : index
      %get3A_47 = vector.load %arg9[%get3A_45, %get3A_46] : memref<1x64xf32, #tpu.memory_space<vmem>>, vector<1x64xf32>
      %div3A = arith.divf %dot_general3A_33, %add3A_41 : vector<1024x64xf32>
      %mul3A_48 = vector.broadcast %get3A_47 : vector<1x64xf32> to vector<1024x64xf32>
      %mul3A_49 = arith.mulf %mul3A_48, %div3A : vector<1024x64xf32>
      %add3A_50 = arith.addf %get3A_44, %mul3A_49 : vector<1024x64xf32>
      %swap3A = arith.constant 0 : index
      %swap3A_51 = arith.constant 0 : index
      %swap3A_52 = vector.load %arg11[%swap3A, %swap3A_51] : memref<1024x64xf32, #tpu.memory_space<vmem>>, vector<1024x64xf32>
      tpu.vector_store %arg11[%swap3A, %swap3A_51], %add3A_50 {strides = array<i32>} : memref<1024x64xf32, #tpu.memory_space<vmem>>, vector<1024x64xf32>,
    } else {
    }
    return
  }
  func.func @transform_0(%arg0: i32, %arg1: i32) -> (i32, i32) {
    %c0_i32 = arith.constant 0 : i32
    return %arg0, %arg1 : i32, i32
  }
  func.func @transform_1(%arg0: i32, %arg1: i32) -> (i32, i32) {
    %c0_i32 = arith.constant 0 : i32
    %c0_i32_0 = arith.constant 0 : i32
    return %arg1, %c0_i32 : i32, i32
  }
  func.func @transform_2(%arg0: i32, %arg1: i32) -> (i32, i32) {
    %c0_i32 = arith.constant 0 : i32
    %c0_i32_0 = arith.constant 0 : i32
    return %arg0, %c0_i32 : i32, i32
  }
  func.func @transform_3(%arg0: i32, %arg1: i32) -> (i32, i32) {
    %c0_i32 = arith.constant 0 : i32
    %c0_i32_0 = arith.constant 0 : i32
    return %arg0, %c0_i32 : i32, i32
  }
  func.func @transform_4(%arg0: i32, %arg1: i32) -> (i32, i32) {
    %c0_i32 = arith.constant 0 : i32
    %c0_i32_0 = arith.constant 0 : i32
    %c0_i32_1 = arith.constant 0 : i32
    return %c0_i32, %c0_i32_0 : i32, i32
  }
  func.func @transform_5(%arg0: i32, %arg1: i32) -> (i32, i32) {
    %c0_i32 = arith.constant 0 : i32
    %c0_i32_0 = arith.constant 0 : i32
    %c0_i32_1 = arith.constant 0 : i32
    return %c0_i32, %c0_i32_0 : i32, i32
  }
  func.func @transform_6(%arg0: i32, %arg1: i32) -> (i32, i32) {
    %c0_i32 = arith.constant 0 : i32
    %c0_i32_0 = arith.constant 0 : i32
    %c0_i32_1 = arith.constant 0 : i32
    return %c0_i32, %c0_i32_0 : i32, i32
  }
  func.func @transform_7(%arg0: i32, %arg1: i32) -> (i32, i32) {
    %c0_i32 = arith.constant 0 : i32
    %c0_i32_0 = arith.constant 0 : i32
    %c0_i32_1 = arith.constant 0 : i32
    return %c0_i32, %c0_i32_0 : i32, i32
  }
  func.func @transform_8(%arg0: i32, %arg1: i32) -> (i32, i32) {
    %c0_i32 = arith.constant 0 : i32
    %c0_i32_0 = arith.constant 0 : i32
    return %arg0, %c0_i32 : i32, i32
  }
  func.func @transform_9(%arg0: i32, %arg1: i32) -> (i32, i32) {
    %c0_i32 = arith.constant 0 : i32
    %c0_i32_0 = arith.constant 0 : i32
    return %arg0, %c0_i32 : i32, i32
  }
}

module attributes {stable_mosaic.version = 14 : i64} {
  func.func @_kout(%arg0: i32, %arg1: memref<1024x64xf32, #tpu.memory_space<vmem>>, %arg2: memref<64x8xf32, #tpu.memory_space<vmem>>, %arg3: memref<1x8xf32, #tpu.memory_space<vmem>>, %arg4: memref<1024x8xf32, #tpu.memory_space<vmem>>) attributes {dimension_semantics = [#tpu.dimension_semantics<arbitrary>], iteration_bounds = array<i64: 10>, scalar_prefetch = 0 : i64, scratch_operands = 0 : i64, tpu.core_type = #tpu.core_type<tc>, window_params = [{transform_indices = @transform_0, window_bounds = array<i64: 1024, 64>}, {pipeline_mode = #tpu.pipeline_mode<synchronous>, transform_indices = @transform_1, window_bounds = array<i64: 64, 8>}, {pipeline_mode = #tpu.pipeline_mode<synchronous>, transform_indices = @transform_2, window_bounds = array<i64: 1, 8>}, {transform_indices = @transform_3, window_bounds = array<i64: 1024, 8>}]} {
    %get3A = arith.constant 0 : index
    %get3A_0 = arith.constant 0 : index
    %get3A_1 = vector.load %arg1[%get3A, %get3A_0] : memref<1024x64xf32, #tpu.memory_space<vmem>>, vector<1024x64xf32>
    %get3A_2 = arith.constant 0 : index
    %get3A_3 = arith.constant 0 : index
    %get3A_4 = vector.load %arg2[%get3A_2, %get3A_3] : memref<64x8xf32, #tpu.memory_space<vmem>>, vector<64x8xf32>
    %dot_general3A = arith.constant dense<0.000000e+00> : vector<1024x8xf32>
    %dot_general3A_5 = tpu.matmul %get3A_1, %get3A_4, %dot_general3A {dimension_numbers = #tpu.dot_dimension_numbers<[1], [0], [0], [1], [0, 0, 1, 1], [], []>, transpose_lhs_hint = false} : vector<1024x64xf32>, vector<64x8xf32>, vector<1024x8xf32> -> vector<1024x8xf32>
    %get3A_6 = arith.constant 0 : index
    %get3A_7 = arith.constant 0 : index
    %get3A_8 = vector.load %arg3[%get3A_6, %get3A_7] : memref<1x8xf32, #tpu.memory_space<vmem>>, vector<1x8xf32>
    %add3A = vector.broadcast %get3A_8 : vector<1x8xf32> to vector<1024x8xf32>
    %add3A_9 = arith.addf %dot_general3A_5, %add3A : vector<1024x8xf32>
    %swap3A = arith.constant 0 : index
    %swap3A_10 = arith.constant 0 : index
    %swap3A_11 = vector.load %arg4[%swap3A, %swap3A_10] : memref<1024x8xf32, #tpu.memory_space<vmem>>, vector<1024x8xf32>
    tpu.vector_store %arg4[%swap3A, %swap3A_10], %add3A_9 {strides = array<i32>} : memref<1024x8xf32, #tpu.memory_space<vmem>>, vector<1024x8xf32>,
    return
  }
  func.func @transform_0(%arg0: i32) -> (i32, i32) {
    %c0_i32 = arith.constant 0 : i32
    %c0_i32_0 = arith.constant 0 : i32
    return %arg0, %c0_i32 : i32, i32
  }
  func.func @transform_1(%arg0: i32) -> (i32, i32) {
    %c0_i32 = arith.constant 0 : i32
    %c0_i32_0 = arith.constant 0 : i32
    %c0_i32_1 = arith.constant 0 : i32
    return %c0_i32, %c0_i32_0 : i32, i32
  }
  func.func @transform_2(%arg0: i32) -> (i32, i32) {
    %c0_i32 = arith.constant 0 : i32
    %c0_i32_0 = arith.constant 0 : i32
    %c0_i32_1 = arith.constant 0 : i32
    return %c0_i32, %c0_i32_0 : i32, i32
  }
  func.func @transform_3(%arg0: i32) -> (i32, i32) {
    %c0_i32 = arith.constant 0 : i32
    %c0_i32_0 = arith.constant 0 : i32
    return %arg0, %c0_i32 : i32, i32
  }
}

module attributes {stable_mosaic.version = 14 : i64} {
  func.func @_khead(%arg0: i32, %arg1: memref<8192x16xf32, #tpu.memory_space<vmem>>, %arg2: memref<16x8xf32, #tpu.memory_space<vmem>>, %arg3: memref<1x8xf32, #tpu.memory_space<vmem>>, %arg4: memref<8x1xf32, #tpu.memory_space<vmem>>, %arg5: memref<1x1xf32, #tpu.memory_space<vmem>>, %arg6: memref<8192x1xf32, #tpu.memory_space<vmem>>) attributes {dimension_semantics = [#tpu.dimension_semantics<arbitrary>], iteration_bounds = array<i64: 20>, scalar_prefetch = 0 : i64, scratch_operands = 0 : i64, tpu.core_type = #tpu.core_type<tc>, window_params = [{transform_indices = @transform_0, window_bounds = array<i64: 8192, 16>}, {pipeline_mode = #tpu.pipeline_mode<synchronous>, transform_indices = @transform_1, window_bounds = array<i64: 16, 8>}, {pipeline_mode = #tpu.pipeline_mode<synchronous>, transform_indices = @transform_2, window_bounds = array<i64: 1, 8>}, {pipeline_mode = #tpu.pipeline_mode<synchronous>, transform_indices = @transform_3, window_bounds = array<i64: 8, 1>}, {pipeline_mode = #tpu.pipeline_mode<synchronous>, transform_indices = @transform_4, window_bounds = array<i64: 1, 1>}, {transform_indices = @transform_5, window_bounds = array<i64: 8192, 1>}]} {
    %get3A = arith.constant 0 : index
    %get3A_0 = arith.constant 0 : index
    %get3A_1 = vector.load %arg1[%get3A, %get3A_0] : memref<8192x16xf32, #tpu.memory_space<vmem>>, vector<8192x16xf32>
    %get3A_2 = arith.constant 0 : index
    %get3A_3 = arith.constant 0 : index
    %get3A_4 = vector.load %arg2[%get3A_2, %get3A_3] : memref<16x8xf32, #tpu.memory_space<vmem>>, vector<16x8xf32>
    %dot_general3A = arith.constant dense<0.000000e+00> : vector<8192x8xf32>
    %dot_general3A_5 = tpu.matmul %get3A_1, %get3A_4, %dot_general3A {dimension_numbers = #tpu.dot_dimension_numbers<[1], [0], [0], [1], [0, 0, 1, 1], [], []>, transpose_lhs_hint = false} : vector<8192x16xf32>, vector<16x8xf32>, vector<8192x8xf32> -> vector<8192x8xf32>
    %get3A_6 = arith.constant 0 : index
    %get3A_7 = arith.constant 0 : index
    %get3A_8 = vector.load %arg3[%get3A_6, %get3A_7] : memref<1x8xf32, #tpu.memory_space<vmem>>, vector<1x8xf32>
    %add3A = vector.broadcast %get3A_8 : vector<1x8xf32> to vector<8192x8xf32>
    %add3A_9 = arith.addf %dot_general3A_5, %add3A : vector<8192x8xf32>
    %logistic3A = arith.negf %add3A_9 : vector<8192x8xf32>
    %logistic3A_10 = math.exp %logistic3A : vector<8192x8xf32>
    %logistic3A_11 = arith.constant 1.000000e+00 : f32
    %logistic3A_12 = vector.broadcast %logistic3A_11 : f32 to vector<8192x8xf32>
    %logistic3A_13 = arith.addf %logistic3A_12, %logistic3A_10 : vector<8192x8xf32>
    %logistic3A_14 = arith.divf %logistic3A_12, %logistic3A_13 : vector<8192x8xf32>
    %mul3A = arith.mulf %add3A_9, %logistic3A_14 : vector<8192x8xf32>
    %get3A_15 = arith.constant 0 : index
    %get3A_16 = arith.constant 0 : index
    %get3A_17 = vector.load %arg4[%get3A_15, %get3A_16] : memref<8x1xf32, #tpu.memory_space<vmem>>, vector<8x1xf32>
    %dot_general3A_18 = arith.constant dense<0.000000e+00> : vector<8192x1xf32>
    %dot_general3A_19 = tpu.matmul %mul3A, %get3A_17, %dot_general3A_18 {dimension_numbers = #tpu.dot_dimension_numbers<[1], [0], [0], [1], [0, 0, 1, 1], [], []>, transpose_lhs_hint = false} : vector<8192x8xf32>, vector<8x1xf32>, vector<8192x1xf32> -> vector<8192x1xf32>
    %get3A_20 = arith.constant 0 : index
    %get3A_21 = arith.constant 0 : index
    %get3A_22 = vector.load %arg5[%get3A_20, %get3A_21] : memref<1x1xf32, #tpu.memory_space<vmem>>, vector<1x1xf32>
    %add3A_23 = vector.broadcast %get3A_22 : vector<1x1xf32> to vector<8192x1xf32>
    %add3A_24 = arith.addf %dot_general3A_19, %add3A_23 : vector<8192x1xf32>
    %swap3A = arith.constant 0 : index
    %swap3A_25 = arith.constant 0 : index
    %swap3A_26 = vector.load %arg6[%swap3A, %swap3A_25] : memref<8192x1xf32, #tpu.memory_space<vmem>>, vector<8192x1xf32>
    tpu.vector_store %arg6[%swap3A, %swap3A_25], %add3A_24 {strides = array<i32>} : memref<8192x1xf32, #tpu.memory_space<vmem>>, vector<8192x1xf32>,
    return
  }
  func.func @transform_0(%arg0: i32) -> (i32, i32) {
    %c0_i32 = arith.constant 0 : i32
    %c0_i32_0 = arith.constant 0 : i32
    return %arg0, %c0_i32 : i32, i32
  }
  func.func @transform_1(%arg0: i32) -> (i32, i32) {
    %c0_i32 = arith.constant 0 : i32
    %c0_i32_0 = arith.constant 0 : i32
    %c0_i32_1 = arith.constant 0 : i32
    return %c0_i32, %c0_i32_0 : i32, i32
  }
  func.func @transform_2(%arg0: i32) -> (i32, i32) {
    %c0_i32 = arith.constant 0 : i32
    %c0_i32_0 = arith.constant 0 : i32
    %c0_i32_1 = arith.constant 0 : i32
    return %c0_i32, %c0_i32_0 : i32, i32
  }
  func.func @transform_3(%arg0: i32) -> (i32, i32) {
    %c0_i32 = arith.constant 0 : i32
    %c0_i32_0 = arith.constant 0 : i32
    %c0_i32_1 = arith.constant 0 : i32
    return %c0_i32, %c0_i32_0 : i32, i32
  }
  func.func @transform_4(%arg0: i32) -> (i32, i32) {
    %c0_i32 = arith.constant 0 : i32
    %c0_i32_0 = arith.constant 0 : i32
    %c0_i32_1 = arith.constant 0 : i32
    return %c0_i32, %c0_i32_0 : i32, i32
  }
  func.func @transform_5(%arg0: i32) -> (i32, i32) {
    %c0_i32 = arith.constant 0 : i32
    %c0_i32_0 = arith.constant 0 : i32
    return %arg0, %c0_i32 : i32, i32
  }
}

</mosaic_0001>

<sc_bundles>
// kernel: scatter_offload_async_start.1
scs
__scs_entry_jumppad:
0x0: {  	(pc) =	sbr.rel $0x88, $3  }
0x1: {  	(tag) =	ssettag $0x0;
	lr =	simm.s32 $0x1  }
0x2: {  	[smem:$0x3F89] =	sst lr;
	_ =	strace $0xD0000000  }
0x3: {  	_ = 	snop  }
0x4: {  	_ = 	snop  }
0x5: {  	_ = 	snop  }
0x6: {  	_ = 	snop  }
0x7: {  	_ = 	snop  }
__scs_overlays_trampoline_lowered:
0x8: {  	[smem:$0x3F98] =	sst s0  }
0x9: {  	[smem:$0x3F99] =	sst s1  }
0xa: {  	[smem:$0x3F9A] =	sst s2  }
0xb: {  	[smem:$0x3F9B] =	sst s3  }
0xc: {  	[smem:$0x3F9C] =	sst s4  }
0xd: {  	[smem:$0x3F9D] =	sst s5  }
0xe: {  	[smem:$0x3F9E] =	sst s6  }
0xf: {  	[smem:$0x3F9F] =	sst s7  }
0x10: {  	[smem:$0x3FA0] =	sst s8  }
0x11: {  	[smem:$0x3FA1] =	sst s9;
	s0 =	simm.s32 @!p0 $0x0  }
0x12: {  	s1 =	sld [smem:$0x3F87];
	s0 =	simm.s32 @p0 $0x1  }
0x13: {  	[smem:$0x3FA2] =	sst s0;
	s0 =	simm.s32 @!p1 $0x0  }
0x14: {  	s2 =	sld [smem:$0x3F86];
	s0 =	simm.s32 @p1 $0x1  }
0x15: {  	[smem:$0x3FA3] =	sst s0;
	s0 =	simm.s32 @!p2 $0x0  }
0x16: {  	s3 =	sld [smem:$0x3FDB];
	s0 =	simm.s32 @p2 $0x1  }
0x17: {  	s4 =	simm.s32 $0x1BF5;
	[smem:$0x3FA5] =	sst s0  }
0x18: {  	s0 =	sld [smem:$0x3F88];
	_ =	swait.ge [sflag:s4], $0x0  }
0x19: {  	s7 =	sld [smem:$0x3F89]  }
0x1a: {  	s8 =	sadd.s32 $0xFFFFE003, lr  }
0x1b: {  	s9 =	sadd.s32 $0xFFFFFEF7, lr;
	s5 =	simm.s32 $0xFFFFFFFF;
	p2 =	slt.u32 s8, $0xFFFFF086  }
0x1c: {  	p1 =	slt.u32 s9, $0xF7A;
	s5 =	simm.s32 @!p2 $0x0  }
0x1d: {  	s5 =	simm.s32 @p1 $0x1;
	p0 =	seq.s32 s7, s2  }
0x1e: {  	s7 =	smul.u32 @!p0 $0xF7A, s2;
	p2 =	seq.s32 @!p0 s5, $0x0  }
0x1f: {  	s9 =	smul.u32 $0xF7A, s1;
	s8 =	simm.s32 @!p0 $0x1BF5;
	p2 =	por !p2, p0  }
0x20: {  	[sflag:s8] =	ssyncset.s32 @!p0 $0xFFFFF086;
	s6 =	sadd.s32 @!p0 s3, s7;
	s7 =	simm.s32 @!p0 $0x108  }
0x21: {  	s3 =	sadd.s32 s3, s9;
	s6 =	sadd.s32 @!p0 $0x88, s6;
	s7 =	simm.s32 @p2 $0x1082  }
0x22: {  	[simem:s7], [sflag:s8] =	dma.local @!p0 [hbm:s6], $0xF7A  }
0x23: {  	s9 =	sor.u32 $0xD0000000, s2;
	s6 =	simm.s32 $0x108;
	_ =	swait.ge @!p0 [sflag:s8], $0x0  }
0x24: {  	s3 =	sadd.s32 $0x88, s3;
	s6 =	simm.s32 @!p1 $0x1082;
	[sflag:s4] =	ssyncset.s32 $0xFFFFF086  }
0x25: {  	[simem:s6], [sflag:s4] =	dma.local [hbm:s3], $0xF7A  }
0x26: {  	[smem:$0x3F89] =	sst s1;
	(tag) =	ssettag s2;
	_ =	strace s9  }
0x27: {  	s1 =	sld [smem:$0x3F99]  }
0x28: {  	s2 =	sld [smem:$0x3F9A]  }
0x29: {  	s4 =	sld [smem:$0x3F9C]  }
0x2a: {  	p0 =	seq.s32 s5, $0x0;
	s5 =	sld [smem:$0x3F9D]  }
0x2b: {  	s6 =	sld [smem:$0x3F9E]  }
0x2c: {  	s7 =	sld [smem:$0x3F9F]  }
0x2d: {  	s3 =	simm.s32 $0x108;
	s8 =	sld [smem:$0x3FA0]  }
0x2e: {  	s3 =	simm.s32 @!p0 $0x1082;
	s9 =	sld [smem:$0x3FA1]  }
0x2f: {  	lr =	sadd.s32 s0, s3;
	s0 =	sld [smem:$0x3F98]  }
0x30: {  	s3 =	sld [smem:$0x3F9B]  }
0x31: {  	[smem:$0x3FA4] =	sst s10  }
0x32: {  	s10 =	sld [smem:$0x3FA2];
	_ =	sdelay $0x3  }
0x33: {  	p0 =	seq.s32 s10, $0x1;
	s10 =	sld [smem:$0x3FA4];
	_ =	sdelay $0x3  }
0x34: {  	[smem:$0x3FA4] =	sst s10  }
0x35: {  	s10 =	sld [smem:$0x3FA3];
	_ =	sdelay $0x3  }
0x36: {  	p1 =	seq.s32 s10, $0x1;
	s10 =	sld [smem:$0x3FA4];
	_ =	sdelay $0x3  }
0x37: {  	[smem:$0x3FA4] =	sst s10  }
0x38: {  	s10 =	sld [smem:$0x3FA5]  }
0x39: {  	_ = 	snop;
	(pc) =	sbr.ind lr, $3  }
0x3a: {  	_ = 	snop  }
0x3b: {  	_ = 	snop  }
0x3c: {  	p2 =	seq.s32 s10, $0x1;
	s10 =	sld [smem:$0x3FA4]  }
0x3d: {  	_ =	shalt  }
0x3e: {  	_ =	shalt  }
0x3f: {  	_ =	shalt  }
0x40: {  	_ =	shalt  }
0x41: {  	_ =	shalt  }
0x42: {  	_ =	shalt  }
0x43: {  	_ =	shalt  }
0x44: {  	_ =	shalt  }
0x45: {  	_ =	shalt  }
0x46: {  	_ =	shalt  }
0x47: {  	_ =	shalt  }
0x48: {  	_ =	shalt  }
0x49: {  	_ =	shalt  }
0x4a: {  	_ =	shalt  }
0x4b: {  	_ =	shalt  }
0x4c: {  	_ =	shalt  }
0x4d: {  	_ =	shalt  }
0x4e: {  	_ =	shalt  }
0x4f: {  	_ =	shalt  }
0x50: {  	_ =	shalt  }
0x51: {  	_ =	shalt  }
0x52: {  	_ =	shalt  }
0x53: {  	_ =	shalt  }
0x54: {  	_ =	shalt  }
0x55: {  	_ =	shalt  }
0x56: {  	_ =	shalt  }
0x57: {  	_ =	shalt  }
0x58: {  	_ =	shalt  }
0x59: {  	_ =	shalt  }
0x5a: {  	_ =	shalt  }
0x5b: {  	_ =	shalt  }
0x5c: {  	_ =	shalt  }
0x5d: {  	_ =	shalt  }
0x5e: {  	_ =	shalt  }
0x5f: {  	_ =	shalt  }
0x60: {  	_ =	shalt  }
0x61: {  	_ =	shalt  }
0x62: {  	_ =	shalt  }
0x63: {  	_ =	shalt  }
0x64: {  	_ =	shalt  }
0x65: {  	_ =	shalt  }
0x66: {  	_ =	shalt  }
0x67: {  	_ =	shalt  }
0x68: {  	_ =	shalt  }
0x69: {  	_ =	shalt  }
0x6a: {  	_ =	shalt  }
0x6b: {  	_ =	shalt  }
0x6c: {  	_ =	shalt  }
0x6d: {  	_ =	shalt  }
0x6e: {  	_ =	shalt  }
0x6f: {  	_ =	shalt  }
0x70: {  	_ =	shalt  }
0x71: {  	_ =	shalt  }
0x72: {  	_ =	shalt  }
0x73: {  	_ =	shalt  }
0x74: {  	_ =	shalt  }
0x75: {  	_ =	shalt  }
0x76: {  	_ =	shalt  }
0x77: {  	_ =	shalt  }
0x78: {  	_ =	shalt  }
0x79: {  	_ =	shalt  }
0x7a: {  	_ =	shalt  }
0x7b: {  	_ =	shalt  }
0x7c: {  	_ =	shalt  }
0x7d: {  	_ =	shalt  }
0x7e: {  	_ =	shalt  }
0x7f: {  	_ =	shalt  }
0x80: {  	_ =	shalt  }
0x81: {  	_ =	shalt  }
0x82: {  	_ =	shalt  }
0x83: {  	_ =	shalt  }
0x84: {  	_ =	shalt  }
0x85: {  	_ =	shalt  }
0x86: {  	_ =	shalt  }
0x87: {  	_ =	shalt  }
.Lfunc_end0:
.L_simem_size_0:
called_computation.1_lowered:
.L_overlay_start_0:
0x88: {  	s0 =	sld [smem:$0x3FD9]  }
0x89: {  	s1 =	sld [smem:$0x3FFE];
	_ =	sdelay $0x3  }
0x8a: {  	s0 =	sadd.s32 s1, s0  }
0x8b: {  	[smem:$0x3FB0] =	sst s0  }
0x8c: {  	_ = 	snop  }
0x8d: {  	(tm) =	ssettm $0x1  }
0x8e: {  	s15 =	sld [smem:$0x3FFB];
	_ =	sdelay $0x3  }
0x8f: {  	_ =	strace s15  }
0x90: {  	s0 =	sld [smem:$0x3FFC];
	_ =	sdelay $0x3  }
0x91: {  	_ =	strace s0  }
0x92: {  	s0 =	sld [smem:$0x3FFD];
	_ =	sdelay $0x3  }
0x93: {  	_ =	strace s0  }
0x94: {  	_ =	strace $0x8FFFFFFF  }
0x95: {  	s16 =	sld [smem:$0x3FDB];
	_ =	sdelay $0x1  }
0x96: {  	s17 =	simm.s32 $_scs_section_size  }
0x97: {  	s2 =	simm.s32 $_size__tile_overlayer_lowered;
	s3 =	simm.s32 $_tile_overlayer_lowered  }
0x98: {  	s20 =	simm.s32 $0x1BFF;
	s19 =	sshll.u32 s3, $0x1;
	s0 =	sadd.s32 s17, s16  }
0x99: {  	s4 =	simm.s32 $0x0;
	s18 =	sshll.u32 s2, $0x1;
	s2 =	sadd.s32 s19, s0  }
0x9a: {  	[timem:s4], [sflag:s20] =	dma.local [hbm:s2], s18  }
0x9b: {  	_ =	swait.ge [sflag:s20], s18  }
0x9c: {  	s1 =	ssub.s32 $0x0, s18;
	[sflag:s20] =	ssyncset.done $0x0  }
0x9d: {  	[sflag:s20] =	ssyncadd.s32 s1;
	_ =	sdelay $0x1  }
0x9e: {  	s21 =	simm.s32 $0x1B8B  }
0x9f: {  	_ =	swait.ge [sflag:s21], $0x1  }
0xa0: {  	[sflag:s21] =	ssyncset.done $0x0  }
0xa1: {  	s23 =	simm.s32 $0x1B8E;
	s22 =	sld [smem:$0x3FFE];
	[sflag:s21] =	ssyncadd.s32 $0xFFFFFFFF  }
0xa2: {  	s24 =	simm.s32 $execute0_lowered;
	[smem:$0x3FD2] =	sst s23  }
0xa3: {  	s2 =	sshll.u32 s24, $0x1;
	_ =	strace $0x80000049;
	[dreg:$0x1] =	wrdreg $0xFFFFFFFF  }
0xa4: {  	s25 =	simm.s32 $_size_execute0_lowered;
	s0 =	sadd.s32 s0, s2;
	[dreg:$0x0] =	wrdreg $0x0  }
0xa5: {  	s2 =	sshll.u32 s25, $0x1;
	[dreg:$0x2] =	wrdreg s0  }
0xa6: {  	[dreg:$0x3] =	wrdreg s2  }
0xa7: {  	[dreg:$0x4] =	wrdreg $0xC0  }
0xa8: {  	_ =	task [dreg:s4], $0x5FFFF  }
0xa9: {  	[dreg:$0x1] =	wrdreg $0xFFFFFFFF  }
0xaa: {  	[dreg:$0x0] =	wrdreg $0x60  }
0xab: {  	[dreg:$0x2] =	wrdreg s22  }
0xac: {  	[dreg:$0x3] =	wrdreg $0x9  }
0xad: {  	_ =	task.clear_ibuf [dreg:s4], $0x4FFFF;
	_ =	strace $0x90000049  }
0xae: {  	s26 =	simm.s32 $0x9;
	_ =	strace $0x8000004B  }
0xaf: {  	_ =	swait.ge [sflag:s26], $0x1  }
0xb0: {  	[sflag:s26] =	ssyncadd.s32 $0xFFFFFFFF  }
0xb1: {  	_ =	strace $0x9000004B  }
0xb2: {  	_ =	sfence  }
0xb3: {  	s28 =	sld [smem:$0x0];
	_ =	sdelay $0x1  }
0xb4: {  	s29 =	srdreg.scid  }
0xb5: {  	s30 =	sshll.u32 s29, $0xD;
	s31 =	sshrl.u32 s29, $0x2  }
0xb6: {  	s1 =	sand.u32 $0x1, s29;
	s2 =	sand.u32 $0x4000, s30;
	s0 =	sadd.s32 s31, s28  }
0xb7: {  	s1 =	sor.u32 s2, s1;
	s0 =	sshll.u32 s0, $0x11  }
0xb8: {  	s0 =	sor.u32 s0, s1  }
0xb9: {  	s0 =	sadd.s32 $0x8F2B, s0  }
0xba: {  	[sflag:s0] =	ssyncadd.remote.s32 $0x1  }
0xbb: {  	_ =	sfence.sel $0xFFFF  }
0xbc: {  	[dreg:$0x0] =	wrdreg $0xFFFFFFFF;
	(pc) =	sbr.abs _section_cstart, $3  }
0xbd: {  	[dreg:$0x1] =	wrdreg $0xFFFFFFFF  }
0xbe: {  	_ =	task.clear_ibuf [dreg:s4], $0x2FFFF;
	_ =	strace $0x9FFFFFFF  }
0xbf: {  	(tm) =	ssettm $0x7FFFFFFF  }
tec
execute0_lowered:
.L_overlay_start_1:
0x0: {  	(tag) =	ssettag $0x1  }
0x1: {  	s0 =	rddreg [dreg:$0x0]  }
0x2: {  	s14 =	stileid.u32;
	_ =	strace $0x8000004A;
	s2 =	simm.s32 $0x1  }
0x3: {  	v1 =	vimm.s32 $0xFFFFFFFF;
	s1 =	smin.u32 s14, $0x4;
	[sflag:s2] =	ssyncpa.u1 $0x0  }
0x4: {  	s1 =	sadd.s32 s14, s1;
	[tilespmem:$0x10] =	vst v1  }
0x5: {  	v0 =	vimm.f32 $0.0e+00;
	p0 =	slt.u32 s14, $0x4;
	[tilespmem:$0x20] =	vst v1;
	s3 =	smul.u32 $0x1F40, s1;
	s1 =	simm.s32 $0x3E80  }
0x6: {  	[tilespmem:$0x30] =	vst v0;
	s1 =	simm.s32 @!p0 $0x1F40  }
0x7: {  	[tilespmem:$0x40] =	vst v0;
	s1 =	sadd.s32 s1, s3  }
0x8: {  	[tilespmem:$0x50] =	vst v0;
	s4 =	smin.u32 s1, $0x27100  }
0x9: {  	[tilespmem:$0x60] =	vst v1;
	s9 =	ssub.s32 s4, s3  }
0xa: {  	s7 =	simm.s32 $0x2;
	s8 =	simm.s32 $0x8;
	[tilespmem:$0x70] =	vst v1;
	p0 =	sgt.s32 s9, $0x0  }
0xb: {  	s31 =	simm.s32 $0x9;
	s16 =	simm.s32 $0x0;
	[tilespmem:$0x80] =	vst v1;
	s9 =	simm.s32 @!p0 $0x0  }
0xc: {  	s17 =	simm.s32 $0xF0;
	s18 =	simm.s32 $0xFFFFFFFF;
	v1 =	vimm.s32 $0x0;
	[tilespmem:$0xB0] =	vst v0;
	s5 =	smulhi.u32 $0x10624DD3, s9  }
0xd: {  	s19 =	simm.s32 $0xFFFFC280;
	s20 =	simm.s32 $0xFFFFFFFE;
	s21 =	simm.s32 $0xF;
	[tilespmem:$0x90] =	vst v1  }
0xe: {  	[tilespmem:$0xA0] =	vst v1;
	[sflag:s7] =	ssyncpa.u1 $0x0;
	s7 =	simm.s32 $0x7;
	s10 =	sshrl.u32 s5, $0x9  }
0xf: {  	s25 =	simm.s32 $0x0;
	[sflag:s7] =	ssyncpa.u1 $0x0;
	s11 =	smul.u32 $0x1F40, s10  }
0x10: {  	s24 =	simm.s32 $0x0;
	s6 =	sadd.s32 $0x7800, s0;
	[sflag:s8] =	ssyncpa.u1 $0x0  }
.Ltmp0:
0x11: {  	s23 =	smov.u32 s3;
	p0 =	sne.s32 s9, s11;
	(pc) =	sbr.rel .LBB2_1-.Ltmp0, $4  }
0x12: {  	s1 =	sadd.s32 $0x138E00, s0;
	[sflag:s31] =	ssyncpa.u1 $0x0;
	s2 =	simm.s32 @!p0 $0x0  }
0x13: {  	s5 =	sadd.s32 $0x1400, s0;
	p0 =	por $0x0, $0x0;
	s9 =	sadd.s32 s2, s10  }
0x14: {  	vm0 =	vmmov $0xffff;
	v2 =	vlaneseq.u32;
	s10 =	sshll.u32 s14, $0x1;
	s14 =	sshllo.u32 s14, $0x1;
	s11 =	sadd.s32 $0x1, s9  }
0x15: {  	vm1 =	vmxor vm1, vm1;
	vm2 =	vmmov $0x1;
	vm3 =	vcmask $0x3F3C;
	s12 =	sadd.s32 $0x2, s9;
	s13 =	sor.u32 $0x81, s10;
	s15 =	sor.u32 $0x80, s10  }
.LBB2_9:
0x16: {  	p1 =	slt.u32 s24, $0x3  }
0x17: {  	s0 =	simm.s32 @!p1 $0x2  }
0x18: {  	_ =	swait.ge @!p1 [sflag:s0], $0x1F40  }
0x19: {  	[sflag:s0] =	ssyncset.done @!p1 $0x0  }
0x1a: {  	[sflag:s0] =	ssyncadd.s32 @!p1 $0xFFFFE0C0;
	s0 =	simm.s32 @!p1 $0x9  }
0x1b: {  	_ =	swait.ge @!p1 [sflag:s0], $0x10  }
0x1c: {  	[sflag:s0] =	ssyncset.done @!p1 $0x0  }
0x1d: {  	[sflag:s0] =	ssyncadd.s32 @!p1 $0xFFFFFFF0;
	p1 =	sne.s32 s24, s12  }
.Ltmp1:
0x1e: {  	s2 =	sadd.s32 $0x1F40, s23;
	(pc) =	sbr.rel @!p1 .LBB2_10-.Ltmp1, $4  }
0x1f: {  	s22 =	smov.u32 s3;
	s31 =	sadd.s32 $0x1, s24;
	s17 =	sadd.s32 $0x1F40, s17  }
0x20: {  	s18 =	sadd.s32 $0x1, s18;
	s25 =	smov.u32 s23;
	p2 =	slt.s32 s2, s4  }
0x21: {  	p0 =	por !p0, !p0;
	s19 =	sadd.s32 $0x1F40, s19;
	s22 =	smov.u32 @p2 s2  }
0x22: {  	s20 =	sadd.s32 $0x1, s20;
	s23 =	smov.u32 s22;
	s24 =	smov.u32 s31  }
.LBB2_1:
0x23: {  	p1 =	sge.u32 s24, s9  }
0x24: {  	s0 =	smulhi.u32 @!p1 $0xAAAAAAAB, s24;
	_ =	sdelay $0x1  }
0x25: {  	s0 =	sshrl.u32 @!p1 s0, $0x1  }
0x26: {  	s0 =	smul.u32 @!p1 $0x3, s0;
	_ =	sdelay $0x1  }
0x27: {  	s0 =	ssub.s32 @!p1 s24, s0  }
0x28: {  	s0 =	smul.u32 @!p1 $0x7D00, s0;
	_ =	sdelay $0x1  }
0x29: {  	s2 =	sshrl.u32 @!p1 s23, $0x3;
	s0 =	sshrl.u32 @!p1 s0, $0x2  }
0x2a: {  	s22 =	sand.u32 @!p1 $0x7, s23;
	s2 =	sadd.s32 @!p1 s5, s2;
	s0 =	sadd.s32 @!p1 $0x100, s0  }
0x2b: {  	[tilespmem:s0], [sflag:$0x7] =	stream.linear.gather @!p1 [hbm4b:s2+s22], $0x1F40, $0x38;
	[tilespmem:$0x11A60] =	vst v63  }
0x2c: {  	s0 =	sadd.s32 $0xFFFFFFFF, s24  }
0x2d: {  	p1 =	sge.u32 s0, s9  }
.Ltmp2:
0x2e: {  	_ = 	snop;
	(pc) =	sbr.rel @p1 .LBB2_5-.Ltmp2, $1  }
0x2f: {  	_ =	sdelay $0x3  }
0x30: {  	s2 =	smulhi.u32 $0xAAAAAAAB, s0;
	_ =	sdelay $0x1  }
0x31: {  	s2 =	sshrl.u32 s2, $0x1  }
0x32: {  	s2 =	smul.u32 $0x3, s2;
	_ =	sdelay $0x1  }
0x33: {  	s2 =	ssub.s32 s0, s2  }
0x34: {  	s2 =	smul.u32 $0x7D00, s2  }
0x35: {  	_ =	swait.ge [sflag:s7], $0x1F40  }
0x36: {  	[sflag:s7] =	ssyncset.done $0x0;
	s2 =	sshrl.u32 s2, $0x2  }
0x37: {  	[sflag:s7] =	ssyncadd.s32 $0xFFFFE0C0;
	(ifvalue) =	ssetifvalue $0xFFFFFFFF;
	v3 =	vld.msk [tilespmem:s2+$0x100 ss:$0x1], $0xffff;
	_ =	sdelay $0x2  }
0x38: {  	s30 =	smulhi.u32 $0xAAAAAAAB, s18;
	p1 =	sne.s32 s24, $0x1  }
0x39: {  	v4 =	vimm.s32 @!p1 $0x0  }
0x3a: {  	s2 =	sshrl.u32 s30, $0x1;
	v4 =	vperm.xlane @!p1 v3, v4  }
0x3b: {  	s22 =	sshll.u32 s24, $0x4;
	s2 =	smul.u32 $0xFFFE8900, s2;
	vm4 =	vlt.u32 v3, $0x6400000  }
0x3c: {  	s22 =	sand.u32 $0x10, s22;
	v3 =	vnsel vm4, $0xFFFFFFFE, v3;
	vm4 =	vlt.u32 @!p1 v4, $0x6400000  }
0x3d: {  	s2 =	sshra.s32 s2, $0x2;
	[tilespmem:s22+$0x60] =	vst v3;
	v3 =	vnsel @!p1 vm4, $0xFFFFFFFE, v4  }
0x3e: {  	s28 =	sadd.s32 s2, s17;
	[tilespmem:$0x80] =	vst @!p1 v3  }
0x3f: {  	v3 =	vld.msk [tilespmem:s28+$0x0 ss:$0x1], $0xffff;
	_ =	sdelay $0x4  }
0x40: {  	(xrf1) =	vunique.msk.u32 $0xffff, v3;
	_ =	sdelay $0xd  }
0x41: {  	v4 =	vimm.s32 $0xFFFFFFFF;
	v5, _, _ =	vpop (xrf1)  }
0x42: {  	vm5 =	vne.s32 v3, v4;
	vm4 =	veq.s32 v5, v2  }
0x43: {  	vm6 =	vlt.u32 v3, $0x6400000;
	vm4 =	vmand vm5, vm4  }
0x44: {  	vm4 =	vmand vm6, vm4  }
0x45: {  	v4 =	vnsel vm4, $0xFFFFFFFF, v3  }
0x46: {  	s31 =	sand.u32 $0x1, s0  }
0x47: {  	s0 =	simm.s32 $0x1F40;
	p1 =	seq.s32 s31, $0x1  }
0x48: {  	s0 =	simm.s32 @!p1 $0x0  }
0x49: {  	s26 =	sadd.s32 $0x7DF0, s0;
	(ifvalue) =	ssetifvalue $0xFFFFFFFF  }
0x4a: {  	v3 =	vperm.xlane v3, v1;
	[tilespmem:s26], [sflag:$0x8] =	stream.indirect_vreg.gather [hbm4b:s1+s16], $0x1, v4, vm0, $0x4038;
	v4 =	vnsel vm6, $0xFFFFFFFE, v4;
	[tilespmem:$0x11A60] =	vst v63  }
0x4b: {  	s2 =	simm.s32 $0x0;
	s22 =	sadd.s32 $0xFFFFFFF0, s28;
	[tilespmem:s28+$0x0] =	vst v4  }
.LBB2_3:
0x4c: {  	v4 =	vld.msk [tilespmem:s22+$0x0 ss:$0x1], $0xffff;
	s2 =	sadd.s32 $0x10, s2;
	v5 =	vmov v3;
	s28 =	smov.u32 s22  }
0x4d: {  	p1 =	slt.u32 s2, $0x1F30;
	_ =	sdelay $0x4  }
0x4e: {  	v3 =	vperm.xlane v4, v1;
	(xrf1) =	vunique.msk.u32 $0xffff, v4;
	_ =	sdelay $0xd  }
0x4f: {  	v6, _, _ =	vpop (xrf1)  }
0x50: {  	vm5 =	vne.s32 v4, v5;
	vm4 =	veq.s32 v6, v2  }
0x51: {  	vm6 =	vlt.u32 v4, $0x6400000;
	vm4 =	vmand vm5, vm4  }
0x52: {  	vm4 =	vmand vm6, vm4  }
0x53: {  	v4 =	vnsel vm4, $0xFFFFFFFF, v4  }
.Ltmp3:
0x54: {  	v5 =	vnsel vm6, $0xFFFFFFFE, v4;
	(pc) =	sbr.rel @p1 .LBB2_3-.Ltmp3, $3  }
0x55: {  	_ =	sdelay $0x1  }
0x56: {  	s22 =	sadd.s32 $0xFFFFFFF0, s22;
	s26 =	sadd.s32 $0xFFFFFFF0, s26;
	(ifvalue) =	ssetifvalue $0xFFFFFFFF  }
0x57: {  	[tilespmem:s26], [sflag:$0x8] =	stream.indirect_vreg.gather [hbm4b:s1+s16], $0x1, v4, vm0, $0x4038;
	[tilespmem:s28+$0x0] =	vst v5  }
0x58: {  	s2 =	sshrl.u32 s25, $0x3  }
0x59: {  	s0 =	sadd.s32 $0x9D40, s0;
	s2 =	sadd.s32 s6, s2  }
0x5a: {  	[tilespmem:s0], [sflag:$0x8] =	stream.linear.gather [hbm:s2], $0x1F40, $0x38;
	[tilespmem:$0x11A60] =	vst v63  }
.LBB2_5:
0x5b: {  	p1 =	slt.u32 s24, $0x2  }
0x5c: {  	p2 =	sge.u32 @!p1 s24, s12  }
0x5d: {  	p1 =	por p1, p2  }
.Ltmp4:
0x5e: {  	_ = 	snop;
	(pc) =	sbr.rel @p1 .LBB2_9-.Ltmp4, $1  }
0x5f: {  	_ =	sdelay $0x3  }
0x60: {  	s0 =	sadd.s32 $0xFFFFFFFE, s24  }
0x61: {  	s2 =	smulhi.u32 $0xAAAAAAAB, s0;
	_ =	sdelay $0x1  }
0x62: {  	s2 =	sshrl.u32 s2, $0x1  }
0x63: {  	s2 =	smul.u32 $0x3, s2;
	_ =	sdelay $0x1  }
0x64: {  	s0 =	ssub.s32 s0, s2  }
0x65: {  	_ =	swait.ge [sflag:s8], $0x3E80;
	s0 =	smul.u32 $0x1F40, s0  }
0x66: {  	p1 =	sne.s32 s24, s11;
	[sflag:s8] =	ssyncset.done $0x0  }
0x67: {  	[sflag:s8] =	ssyncadd.s32 $0xFFFFC180;
	s2 =	sadd.s32 @!p1 $0x203F, s0  }
0x68: {  	[spmem:s13] =	stream.linear.scatter @!p1 [tilespmem:s2], [sflag:$0x1], $0x1, $0x38;
	[tilespmem:$0x11A60] =	vst v63  }
0x69: {  	s2 =	simm.s32 @!p1 $0x1  }
0x6a: {  	_ =	swait.ge @!p1 [sflag:s2], $0x1  }
0x6b: {  	s22 =	sshll.u32 s24, $0x4;
	[sflag:s2] =	ssyncset.done @!p1 $0x0  }
0x6c: {  	s25 =	sand.u32 $0x10, s22;
	[sflag:s2] =	ssyncadd.s32 @!p1 $0xFFFFFFFF  }
0x6d: {  	s2 =	sxor.u32 $0x10, s25;
	v4 =	vld [tilespmem:s25+$0x10]  }
0x6e: {  	v5 =	vld [tilespmem:s2+$0x60]  }
0x6f: {  	v3 =	vld [tilespmem:$0x80];
	_ =	sdelay $0x2  }
0x70: {  	(v2sf) =	vpush v4, $0x0  }
0x71: {  	(v2sf) =	vpush v5, $0x0  }
0x72: {  	(v2sf) =	vpush v3, $0x0;
	_ =	sdelay $0xc  }
0x73: {  	s22 =	spop (v2sf)  }
0x74: {  	s26 =	spop (v2sf)  }
0x75: {  	s28 =	spop (v2sf)  }
0x76: {  	p2 =	seq.s32 s22, s26;
	p3 =	seq.s32 s28, s22  }
0x77: {  	p3 =	por p2, p3  }
0x78: {  	s26 =	sand.u32 $0x1, s24;
	v4 =	vpsel p3, $0xFFFFFFFF, v4  }
0x79: {  	s29 =	smul.u32 $0x1F40, s26;
	[tilespmem:s25+$0x10] =	vst.msk $0x1, v4  }
0x7a: {  	v4 =	vld [tilespmem:$0x30]  }
0x7b: {  	v5 =	vld [tilespmem:s29+$0x9D40]  }
0x7c: {  	v6 =	vld [tilespmem:s25+$0x40];
	_ =	sdelay $0x3  }
0x7d: {  	vm4 =	vmmov vm1;
	v5 =	vadd.f32 v5, v4  }
0x7e: {  	vm5 =	vmmov vm2;
	vm4 =	vmmov @p2 vm2;
	s22 =	sshll.u32 s26, $0x4;
	v4 =	vadd.f32 v6, v4  }
0x7f: {  	s26 =	sor.u32 $0x11A40, s22;
	vm5 =	vmmov @p3 vm1;
	[tilespmem:s29+$0x9D40] =	vst.msk vm4, v5  }
0x80: {  	[tilespmem:s26+$0x0] =	vst.msk vm5, v4  }
0x81: {  	v4 =	vld [tilespmem:s29+$0x7DF0];
	_ =	sdelay $0x3  }
0x82: {  	v5 =	vimm.f32 $0.0e+00  }
0x83: {  	v4 =	vshift.insert v4, v5, s21  }
0x84: {  	s22 =	sor.u32 $0x40, s2  }
0x85: {  	[tilespmem:s22+$0x0] =	vst.msk $0x1, v4  }
0x86: {  	[tilespmem:s29+$0x7DFF] =	vst.msk $0x1, v5  }
0x87: {  	v4 =	vld [tilespmem:s0+$0x2030];
	_ =	sdelay $0x1  }
0x88: {  	s22 =	smulhi.u32 $0xAAAAAAAB, s20;
	s0 =	simm.s32 $0x1  }
0x89: {  	s0 =	simm.s32 @!p0 $0x0  }
0x8a: {  	s22 =	sshrl.u32 s22, $0x1;
	s0 =	smul.u32 $0x7D00, s0  }
0x8b: {  	s22 =	smul.u32 $0xFFFE8900, s22;
	v4 =	vshift.insert v4, v1, s21  }
0x8c: {  	s0 =	sshrl.u32 s0, $0x2  }
0x8d: {  	s22 =	sshra.s32 s22, $0x2;
	s30 =	sadd.s32 $0x9D40, s0;
	[tilespmem:s2+$0x10] =	vst.msk $0x1, v4  }
0x8e: {  	s22 =	sadd.s32 s22, s19;
	v6 =	vld [tilespmem:s30+$0x0]  }
0x8f: {  	v7 =	vld [tilespmem:s22+$0x0];
	_ =	sdelay $0x3  }
0x90: {  	v5 =	vadd.f32 v6, v5  }
0x91: {  	vm4 =	vne.s32 v7, $0xFFFFFFFF  }
0x92: {  	(xrf2) =	vadd.seg.scan.f32 vm4, v5;
	_ =	sdelay $0x3  }
0x93: {  	s31 =	sadd.s32 $0x5EC0, s0;
	v5 =	vperm.xlane v4, v1  }
0x94: {  	v6 =	vld [tilespmem:s31+$0x0]  }
0x95: {  	vm5 =	veq.s32 v7, v3;
	vm6 =	veq.s32 v7, v5  }
0x96: {  	vm7 =	vgt.u32 v7, $0xFFFFFFFD;
	vm6 =	vmor vm6, vm5  }
0x97: {  	vm6 =	vmor vm6, vm7  }
0x98: {  	v9 =	vld [tilespmem:$0xA0];
	v7 =	vsel vm6, $0xFFFFFFFF, v7  }
0x99: {  	v10 =	vld [tilespmem:$0x90];
	v6 =	vsel vm5, $0x0, v6;
	v8, _, _ =	vpop (xrf2)  }
0x9a: {  	v6 =	vadd.f32 v8, v6  }
0x9b: {  	s0 =	sadd.s32 $0xDBC0, s0  }
0x9c: {  	vm4 =	vmand vm4, vm3;
	[tilespmem:s0+$0x0] =	vst v6;
	(ifvalue) =	ssetifvalue $0xFFFFFFFF  }
0x9d: {  	vm6 =	veq.s32 v9, $0x1;
	[hbm4b:s1+s16] =	stream.indirect_vreg.scatter [tilespmem:s0], [sflag:$0x2], $0x1, v7, vm0, $0x4038;
	v7 =	vsel vm4, $0x0, v8;
	[tilespmem:$0x11A60] =	vst v63  }
0x9e: {  	s2 =	simm.s32 $0x0;
	s22 =	sadd.s32 $0x10, s22;
	vm4 =	vmor vm6, vm5;
	v6 =	vsel vm5, v8, v10;
	v7 =	vshift.insert v7, v0, s21  }
.LBB2_7:
0x9f: {  	v8 =	vld [tilespmem:s22+$0x0];
	s30 =	sadd.s32 $0x10, s30  }
0xa0: {  	s31 =	sadd.s32 $0x10, s31;
	v9 =	vld [tilespmem:s30+$0x0]  }
0xa1: {  	s2 =	sadd.s32 $0x10, s2;
	v10 =	vld [tilespmem:s31+$0x0]  }
0xa2: {  	p2 =	slt.u32 s2, $0x1F30;
	_ =	sdelay $0x2  }
0xa3: {  	v7 =	vadd.f32 v9, v7  }
0xa4: {  	vm5 =	vne.s32 v8, $0xFFFFFFFF  }
0xa5: {  	vm6 =	vmand vm5, vm3;
	(xrf2) =	vadd.seg.scan.f32 vm5, v7;
	_ =	sdelay $0x5  }
0xa6: {  	vm7 =	veq.s32 v8, v5;
	vm5 =	veq.s32 v8, v3  }
0xa7: {  	vm8 =	vgt.u32 v8, $0xFFFFFFFD;
	vm4 =	vmor vm4, vm5;
	vm7 =	vmor vm7, vm5  }
0xa8: {  	vm7 =	vmor vm7, vm8  }
0xa9: {  	v8 =	vsel vm7, $0xFFFFFFFF, v8  }
.Ltmp5:
0xaa: {  	v7 =	vsel vm5, $0x0, v10;
	v9, _, _ =	vpop (xrf2);
	(pc) =	sbr.rel @p2 .LBB2_7-.Ltmp5, $4  }
0xab: {  	v6 =	vsel vm5, v9, v6;
	v10 =	vadd.f32 v9, v7;
	v7 =	vsel vm6, $0x0, v9  }
0xac: {  	s0 =	sadd.s32 $0x10, s0;
	v7 =	vshift.insert v7, v0, s21  }
0xad: {  	s22 =	sadd.s32 $0x10, s22;
	[tilespmem:s0+$0x0] =	vst v10;
	(ifvalue) =	ssetifvalue $0xFFFFFFFF  }
0xae: {  	[hbm4b:s1+s16] =	stream.indirect_vreg.scatter [tilespmem:s0], [sflag:$0x2], $0x1, v8, vm0, $0x4038;
	[tilespmem:$0x11A60] =	vst v63  }
0xaf: {  	v3 =	vld [tilespmem:s29+$0xFAF0];
	_ =	sdelay $0x4  }
0xb0: {  	v3 =	vshift.insert v3, v0, s21  }
0xb1: {  	s0 =	simm.s32 $0x30  }
0xb2: {  	[tilespmem:s0+$0x0] =	vst.msk $0x1, v3  }
0xb3: {  	v3 =	vsel vm4, $0x1, v1;
	[tilespmem:$0x90] =	vst v6  }
0xb4: {  	s0 =	sadd.s32 @!p1 $0xFAFF, s29;
	[tilespmem:$0xA0] =	vst v3  }
0xb5: {  	[spmem:s14] =	stream.linear.scatter @!p1 [tilespmem:s0], [sflag:$0x1], $0x1, $0x38;
	[tilespmem:$0x11A60] =	vst v63  }
0xb6: {  	s0 =	simm.s32 @!p1 $0x1  }
0xb7: {  	v3 =	vmctz.xlane @!p1 vm4;
	_ =	swait.ge @!p1 [sflag:s0], $0x1  }
0xb8: {  	(v2sf) =	vpush @!p1 v4, $0x0  }
0xb9: {  	(v2sf) =	vpush @!p1 v3, $0x0;
	_ =	sdelay $0xd  }
0xba: {  	s2 =	spop @!p1 (v2sf)  }
0xbb: {  	s22 =	spop @!p1 (v2sf)  }
0xbc: {  	p2 =	sne.s32 @!p1 s28, s2;
	p3 =	slt.s32 @!p1 s22, $0xF  }
0xbd: {  	[sflag:s0] =	ssyncset.done @!p1 $0x0;
	p2 =	por p2, p1;
	p3 =	por !p3, p1  }
0xbe: {  	[sflag:s0] =	ssyncadd.s32 @!p1 $0xFFFFFFFF;
	v3 =	vimm.s32 @!p2 $0xFFFFFFFF;
	s22 =	simm.s32 @p3 $0xF  }
0xbf: {  	[tilespmem:$0x80] =	vst @!p2 v3;
	s2 =	sadd.s32 @!p1 $0x90, s22  }
0xc0: {  	[spmem:s10] =	stream.linear.scatter @!p1 [tilespmem:s2], [sflag:$0x1], $0x1, $0x38;
	[tilespmem:$0x11A60] =	vst v63  }
0xc1: {  	_ =	swait.ge @!p1 [sflag:s0], $0x1  }
0xc2: {  	[sflag:s0] =	ssyncset.done @!p1 $0x0  }
0xc3: {  	s2 =	simm.s32 @!p1 $0x80;
	[sflag:s0] =	ssyncadd.s32 @!p1 $0xFFFFFFFF  }
0xc4: {  	[spmem:s15] =	stream.linear.scatter @!p1 [tilespmem:s2], [sflag:$0x1], $0x1, $0x38;
	[tilespmem:$0x11A60] =	vst v63  }
0xc5: {  	_ =	swait.ge @!p1 [sflag:s0], $0x1  }
0xc6: {  	[sflag:s0] =	ssyncset.done @!p1 $0x0  }
0xc7: {  	[sflag:s0] =	ssyncadd.s32 @!p1 $0xFFFFFFFF;
	(ifvalue) =	ssetifvalue $0xFFFFFFFF;
	v3 =	vld [tilespmem:s25+$0x10];
	_ =	sdelay $0x3  }
.Ltmp6:
0xc8: {  	_ = 	snop;
	(pc) =	sbr.rel .LBB2_9-.Ltmp6, $3  }
0xc9: {  	_ =	sdelay $0x1  }
0xca: {  	(ifvalue) =	ssetifvalue $0xFFFFFFFF  }
0xcb: {  	[hbm4b:s1+s16] =	stream.indirect_vreg.scatter [tilespmem:s26], [sflag:$0x9], $0x1, v3, vm0, $0x4038;
	[tilespmem:$0x11A60] =	vst v63  }
.LBB2_10:
0xcc: {  	_ =	sfence.sel $0x180000  }
0xcd: {  	s0 =	simm.s32 $0x7;
	[bflag:$0x0] =	sbarrier.arrive $0xFFFF  }
0xce: {  	s26 =	simm.s32 $0x8;
	[sflag:s0] =	ssyncpa.u1 $0x1  }
0xcf: {  	s28 =	simm.s32 $0x9;
	[sflag:s26] =	ssyncpa.u1 $0x1  }
0xd0: {  	[sflag:s28] =	ssyncpa.u1 $0x1  }
0xd1: {  	_ =	sfence.stream.spmem  }
0xd2: {  	s29 =	simm.s32 $0x3;
	[bflag:$0x0] =	sbarrier.arrive $0xFFFF  }
0xd3: {  	s30 =	simm.s32 $0x4;
	[sflag:s29] =	ssyncpa.u1 $0x1  }
0xd4: {  	s31 =	simm.s32 $0x3C;
	s2 =	stileid.u32;
	[sflag:s30] =	ssyncpa.u1 $0x1  }
0xd5: {  	p0 =	sne.s32 s2, $0x0;
	[sflag:s31] =	ssyncpa.u1 $0x1  }
0xd6: {  	s0 =	simm.s32 @p0 $0x1;
	_ =	sfence @p0  }
0xd7: {  	[sflag:s0] =	ssyncpa.u1 @p0 $0x1;
	s0 =	simm.s32 @p0 $0x2  }
0xd8: {  	[sflag:s0] =	ssyncpa.u1 @p0 $0x1  }
0xd9: {  	_ =	strace @p0 $0x9000004A  }
0xda: {  	[bflag:$0x2] =	sbarrier.arrive @p0 $0xFFFF  }
0xdb: {  	_ =	shalt @p0  }
.LBB2_11:
0xdc: {  	_ =	sfence.stream.spmem;
	s0 =	simm.s32 $0x5  }
0xdd: {  	s2 =	simm.s32 $0x80;
	s3 =	simm.s32 $0xC0;
	[sflag:s0] =	ssyncpa.u1 $0x0  }
0xde: {  	[tilespmem:s3], [sflag:$0x5] =	stream.linear.gather [spmem:s2], $0x20, $0x38;
	[tilespmem:$0x11A60] =	vst v63  }
0xdf: {  	s2 =	simm.s32 $0x0;
	s3 =	simm.s32 $0xE0  }
0xe0: {  	[tilespmem:s3], [sflag:$0x5] =	stream.linear.gather [spmem:s2], $0x20, $0x38;
	[tilespmem:$0x11A60] =	vst v63  }
.Ltmp7:
0xe1: {  	_ = 	snop;
	(pc) =	sbr.rel .LBB2_12-.Ltmp7, $4  }
0xe2: {  	_ =	swait.ge [sflag:s0], $0x40  }
0xe3: {  	[sflag:s0] =	ssyncset.done $0x0  }
0xe4: {  	s31 =	simm.s32 $0x6;
	[sflag:s0] =	ssyncadd.s32 $0xFFFFFFC0  }
0xe5: {  	s4 =	simm.s32 $0x0;
	[sflag:s31] =	ssyncpa.u1 $0x0  }
.LBB2_17:
0xe6: {  	p0 =	sgt.u32 s5, $0x63FFFFF  }
0xe7: {  	s0 =	sshrl.u32 @!p0 s5, $0x3  }
0xe8: {  	s5 =	sand.u32 @!p0 $0x7, s5;
	s6 =	simm.s32 @!p0 $0xB0;
	s0 =	sadd.s32 @!p0 s1, s0  }
0xe9: {  	[tilespmem:s6], [sflag:$0x6] =	stream.linear.gather @!p0 [hbm4b:s0+s5], $0x1, $0x38;
	[tilespmem:$0x11A60] =	vst v63  }
0xea: {  	s0 =	simm.s32 @!p0 $0x6  }
0xeb: {  	_ =	swait.ge @!p0 [sflag:s0], $0x1  }
0xec: {  	[sflag:s0] =	ssyncset.done @!p0 $0x0  }
0xed: {  	[sflag:s0] =	ssyncadd.s32 @!p0 $0xFFFFFFFF  }
0xee: {  	v2 =	vmov @!p0 s4;
	v1 =	vld.msk @!p0 [tilespmem:$0xB0], $0x1;
	_ =	sdelay $0x3  }
0xef: {  	s0 =	simm.s32 @!p0 $0xE0  }
0xf0: {  	[tilespmem:v2+s0+$0x0], v1 =	vst.idx.ret.add.f32.msk @!p0 $0x1, v1  }
0xf1: {  	[tilespmem:s2+$0xC0] =	vst.msk $0x1, v0  }
0xf2: {  	v0 =	vld.msk [tilespmem:s4+$0xE0], $0x1;
	_ =	sdelay $0x4  }
0xf3: {  	[tilespmem:s2+$0xE0] =	vst.msk $0x1, v0;
	s2 =	sadd.s32 $0x1, s2  }
.LBB2_19:
0xf4: {  	s4 =	sadd.s32 $0x1, s4  }
0xf5: {  	p0 =	sne.s32 s4, $0x20  }
.Ltmp8:
0xf6: {  	_ = 	snop;
	(pc) =	sbr.rel @!p0 .LBB2_20-.Ltmp8, $1  }
0xf7: {  	_ =	sdelay $0x3  }
.LBB2_12:
0xf8: {  	v0 =	vld.msk [tilespmem:s4+$0xC0], $0x1;
	_ =	sdelay $0x4  }
0xf9: {  	(v2sf) =	vpush v0, $0x0;
	_ =	sdelay $0xe  }
0xfa: {  	s5 =	spop (v2sf)  }
0xfb: {  	p0 =	seq.s32 s5, $0xFFFFFFFF  }
.Ltmp9:
0xfc: {  	_ = 	snop;
	(pc) =	sbr.rel @p0 .LBB2_19-.Ltmp9, $1  }
0xfd: {  	_ =	sdelay $0x3  }
0xfe: {  	p0 =	slt.s32 s2, $0x1  }
.Ltmp10:
0xff: {  	_ = 	snop;
	(pc) =	sbr.rel @p0 .LBB2_17-.Ltmp10, $1  }
0x100: {  	_ =	sdelay $0x3  }
0x101: {  	s0 =	simm.s32 $0xC0;
	p0 =	por $0x0, $0x0  }
0x102: {  	v1 =	vld.msk @!p0 [tilespmem:s0+$0x0], $0x1;
	_ =	sdelay $0x4  }
0x103: {  	(v2sf) =	vpush @!p0 v1, $0x0;
	_ =	sdelay $0xd  }
0x104: {  	p2 =	sne.s32 s2, $0x1  }
.Ltmp11:
0x105: {  	s6 =	spop @!p0 (v2sf);
	(pc) =	sbr.rel @!p2 .LBB2_16-.Ltmp11, $4  }
0x106: {  	p1 =	seq.s32 @!p0 s5, s6  }
0x107: {  	s6 =	simm.s32 $0x0;
	p1 =	por !p1, p0  }
0x108: {  	s8 =	simm.s32 $0xFFFFFFFF;
	s6 =	simm.s32 @p1 $0xFFFFFFFF  }
0x109: {  	s7 =	simm.s32 $0x1;
	s6 =	smov.u32 @p0 s8  }
.LBB2_15:
0x10a: {  	s8 =	smov.u32 s6;
	p0 =	sne.s32 s6, $0xFFFFFFFF  }
0x10b: {  	s0 =	sadd.s32 $0x1, s0;
	s6 =	smov.u32 s7;
	s7 =	sadd.s32 $0x1, s7  }
0x10c: {  	p1 =	sne.s32 s2, s7;
	v1 =	vld.msk @!p0 [tilespmem:s0+$0x0], $0x1;
	_ =	sdelay $0x4  }
0x10d: {  	(v2sf) =	vpush @!p0 v1, $0x0;
	_ =	sdelay $0xe  }
.Ltmp12:
0x10e: {  	s9 =	spop @!p0 (v2sf);
	(pc) =	sbr.rel @p1 .LBB2_15-.Ltmp12, $4  }
0x10f: {  	p2 =	seq.s32 @!p0 s5, s9  }
0x110: {  	p2 =	por !p2, p0  }
0x111: {  	s6 =	simm.s32 @p2 $0xFFFFFFFF  }
0x112: {  	s6 =	smov.u32 @p0 s8  }
.LBB2_16:
0x113: {  	p0 =	sne.s32 s6, $0xFFFFFFFF  }
.Ltmp13:
0x114: {  	_ = 	snop;
	(pc) =	sbr.rel @!p0 .LBB2_17-.Ltmp13, $1  }
0x115: {  	_ =	sdelay $0x3  }
0x116: {  	v0 =	vld.msk [tilespmem:s4+$0xE0], $0x1;
	v1 =	vmov s6  }
.Ltmp14:
0x117: {  	_ = 	snop;
	(pc) =	sbr.rel .LBB2_19-.Ltmp14, $2  }
0x118: {  	_ =	sdelay $0x2  }
0x119: {  	[tilespmem:v1+s3+$0x0], v0 =	vst.idx.ret.add.f32.msk $0x1, v0  }
.LBB2_20:
0x11a: {  	p0 =	slt.s32 s2, $0x1  }
.Ltmp15:
0x11b: {  	_ = 	snop;
	(pc) =	sbr.rel @p0 .LBB2_24-.Ltmp15, $3  }
0x11c: {  	_ =	sdelay $0x1  }
0x11d: {  	s0 =	simm.s32 $0x6  }
0x11e: {  	s3 =	simm.s32 $0x0;
	[sflag:s0] =	ssyncpa.u1 $0x1  }
0x11f: {  	s0 =	simm.s32 $0xC0  }
0x120: {  	v0 =	vld.msk [tilespmem:s0+$0x0], $0x1;
	_ =	sdelay $0x4  }
0x121: {  	(v2sf) =	vpush v0, $0x0;
	_ =	sdelay $0xe  }
0x122: {  	s2 =	sadd.s32 $0xFFFFFFFF, s2;
	s4 =	spop (v2sf)  }
0x123: {  	p1 =	sne.s32 s2, $0x0;
	p0 =	sgt.u32 s4, $0x63FFFFF  }
.Ltmp16:
0x124: {  	s5 =	sshrl.u32 @!p0 s4, $0x3;
	(pc) =	sbr.rel @!p1 .LBB2_23-.Ltmp16, $4  }
0x125: {  	s0 =	simm.s32 $0xE0;
	s4 =	sand.u32 @!p0 $0x7, s4;
	s5 =	sadd.s32 @!p0 s1, s5  }
0x126: {  	[hbm4b:s5+s4] =	stream.linear.scatter @!p0 [tilespmem:s0], [sflag:$0x5], $0x1, $0x38;
	[tilespmem:$0x11A60] =	vst v63  }
0x127: {  	s5 =	simm.s32 $0x0  }
0x128: {  	s4 =	simm.s32 $0xC1;
	s5 =	simm.s32 @!p0 $0x4  }
.LBB2_22:
0x129: {  	v0 =	vld.msk [tilespmem:s4+$0x0], $0x1;
	s2 =	sadd.s32 $0xFFFFFFFF, s2;
	s3 =	sadd.s32 s3, s5  }
0x12a: {  	p0 =	sne.s32 s2, $0x0;
	_ =	sdelay $0x3  }
0x12b: {  	(v2sf) =	vpush v0, $0x0;
	_ =	sdelay $0xe  }
.Ltmp17:
0x12c: {  	s6 =	spop (v2sf);
	(pc) =	sbr.rel @p0 .LBB2_22-.Ltmp17, $4  }
0x12d: {  	s5 =	simm.s32 $0x0;
	p1 =	sgt.u32 s6, $0x63FFFFF  }
0x12e: {  	s0 =	sadd.s32 $0x1, s0;
	s5 =	simm.s32 @!p1 $0x4;
	s7 =	sshrl.u32 @!p1 s6, $0x3  }
0x12f: {  	s4 =	sadd.s32 $0x1, s4;
	s6 =	sand.u32 @!p1 $0x7, s6;
	s7 =	sadd.s32 @!p1 s1, s7  }
0x130: {  	[hbm4b:s7+s6] =	stream.linear.scatter @!p1 [tilespmem:s0], [sflag:$0x5], $0x1, $0x38;
	[tilespmem:$0x11A60] =	vst v63  }
.LBB2_23:
0x131: {  	s0 =	sadd.s32 s3, s5  }
0x132: {  	s3 =	sshrl.u32 s0, $0x2  }
.LBB2_24:
0x133: {  	s0 =	simm.s32 $0x5  }
0x134: {  	_ =	swait.ge [sflag:s0], s3  }
0x135: {  	s1 =	ssub.s32 $0x0, s3;
	[sflag:s0] =	ssyncset.done $0x0  }
0x136: {  	[sflag:s0] =	ssyncadd.s32 s1  }
0x137: {  	[sflag:s0] =	ssyncpa.u1 $0x1  }
0x138: {  	s29 =	simm.s32 $0x1;
	_ =	sfence  }
0x139: {  	s30 =	simm.s32 $0x2;
	[sflag:s29] =	ssyncpa.u1 $0x1  }
0x13a: {  	[sflag:s30] =	ssyncpa.u1 $0x1  }
0x13b: {  	_ =	strace $0x9000004A  }
0x13c: {  	[bflag:$0x2] =	sbarrier.arrive $0xFFFF  }
0x13d: {  	s31 =	rddreg [dreg:$0x1]  }
0x13e: {  	s0 =	sadd.s32 $0x100000, s31  }
0x13f: {  	[sflag:s0] =	ssyncadd.tile.s32 $0x1;
	_ =	shalt  }
.Lfunc_end2:
_tile_overlayer_lowered:
.L_overlay_start_2:
0x140: {  	(tag) =	ssettag $0x2  }
0x141: {  	s0 =	rddreg [dreg:$0x0];
	s2 =	stileid.u32  }
0x142: {  	s1 =	rddreg [dreg:$0x1];
	p0 =	sne.s32 s2, $0x0  }
0x143: {  	s3 =	rddreg [dreg:$0x2];
	[bflag:$0x3] =	sbarrier.arrive $0xFFFF;
	s2 =	simm.s32 @!p0 $0x1C01  }
0x144: {  	[timem:s3], [sflag:s2] =	dma.local @!p0 [hbm:s0], s1  }
0x145: {  	s0 =	simm.s32 @!p0 $0x1  }
0x146: {  	_ =	swait.ge @!p0 [sflag:s0], s1  }
0x147: {  	s1 =	ssub.s32 @!p0 $0x0, s1;
	[sflag:s0] =	ssyncset.done @!p0 $0x0  }
0x148: {  	[sflag:s0] =	ssyncadd.s32 @!p0 s1  }
0x149: {  	[bflag:$0x3] =	sbarrier.arrive $0xFFFF  }
0x14a: {  	_ =	shalt  }

// kernel: scatter_offload_async_start
scs
__scs_entry_jumppad:
0x0: {  	(pc) =	sbr.rel $0x88, $3  }
0x1: {  	(tag) =	ssettag $0x0;
	lr =	simm.s32 $0x1  }
0x2: {  	[smem:$0x3F89] =	sst lr;
	_ =	strace $0xD0000000  }
0x3: {  	_ = 	snop  }
0x4: {  	_ = 	snop  }
0x5: {  	_ = 	snop  }
0x6: {  	_ = 	snop  }
0x7: {  	_ = 	snop  }
__scs_overlays_trampoline_lowered:
0x8: {  	[smem:$0x3F98] =	sst s0  }
0x9: {  	[smem:$0x3F99] =	sst s1  }
0xa: {  	[smem:$0x3F9A] =	sst s2  }
0xb: {  	[smem:$0x3F9B] =	sst s3  }
0xc: {  	[smem:$0x3F9C] =	sst s4  }
0xd: {  	[smem:$0x3F9D] =	sst s5  }
0xe: {  	[smem:$0x3F9E] =	sst s6  }
0xf: {  	[smem:$0x3F9F] =	sst s7  }
0x10: {  	[smem:$0x3FA0] =	sst s8  }
0x11: {  	[smem:$0x3FA1] =	sst s9;
	s0 =	simm.s32 @!p0 $0x0  }
0x12: {  	s1 =	sld [smem:$0x3F87];
	s0 =	simm.s32 @p0 $0x1  }
0x13: {  	[smem:$0x3FA2] =	sst s0;
	s0 =	simm.s32 @!p1 $0x0  }
0x14: {  	s2 =	sld [smem:$0x3F86];
	s0 =	simm.s32 @p1 $0x1  }
0x15: {  	[smem:$0x3FA3] =	sst s0;
	s0 =	simm.s32 @!p2 $0x0  }
0x16: {  	s3 =	sld [smem:$0x3FDB];
	s0 =	simm.s32 @p2 $0x1  }
0x17: {  	s4 =	simm.s32 $0x1BF5;
	[smem:$0x3FA5] =	sst s0  }
0x18: {  	s0 =	sld [smem:$0x3F88];
	_ =	swait.ge [sflag:s4], $0x0  }
0x19: {  	s7 =	sld [smem:$0x3F89]  }
0x1a: {  	s8 =	sadd.s32 $0xFFFFE003, lr  }
0x1b: {  	s9 =	sadd.s32 $0xFFFFFEF7, lr;
	s5 =	simm.s32 $0xFFFFFFFF;
	p2 =	slt.u32 s8, $0xFFFFF086  }
0x1c: {  	p1 =	slt.u32 s9, $0xF7A;
	s5 =	simm.s32 @!p2 $0x0  }
0x1d: {  	s5 =	simm.s32 @p1 $0x1;
	p0 =	seq.s32 s7, s2  }
0x1e: {  	s7 =	smul.u32 @!p0 $0xF7A, s2;
	p2 =	seq.s32 @!p0 s5, $0x0  }
0x1f: {  	s9 =	smul.u32 $0xF7A, s1;
	s8 =	simm.s32 @!p0 $0x1BF5;
	p2 =	por !p2, p0  }
0x20: {  	[sflag:s8] =	ssyncset.s32 @!p0 $0xFFFFF086;
	s6 =	sadd.s32 @!p0 s3, s7;
	s7 =	simm.s32 @!p0 $0x108  }
0x21: {  	s3 =	sadd.s32 s3, s9;
	s6 =	sadd.s32 @!p0 $0x88, s6;
	s7 =	simm.s32 @p2 $0x1082  }
0x22: {  	[simem:s7], [sflag:s8] =	dma.local @!p0 [hbm:s6], $0xF7A  }
0x23: {  	s9 =	sor.u32 $0xD0000000, s2;
	s6 =	simm.s32 $0x108;
	_ =	swait.ge @!p0 [sflag:s8], $0x0  }
0x24: {  	s3 =	sadd.s32 $0x88, s3;
	s6 =	simm.s32 @!p1 $0x1082;
	[sflag:s4] =	ssyncset.s32 $0xFFFFF086  }
0x25: {  	[simem:s6], [sflag:s4] =	dma.local [hbm:s3], $0xF7A  }
0x26: {  	[smem:$0x3F89] =	sst s1;
	(tag) =	ssettag s2;
	_ =	strace s9  }
0x27: {  	s1 =	sld [smem:$0x3F99]  }
0x28: {  	s2 =	sld [smem:$0x3F9A]  }
0x29: {  	s4 =	sld [smem:$0x3F9C]  }
0x2a: {  	p0 =	seq.s32 s5, $0x0;
	s5 =	sld [smem:$0x3F9D]  }
0x2b: {  	s6 =	sld [smem:$0x3F9E]  }
0x2c: {  	s7 =	sld [smem:$0x3F9F]  }
0x2d: {  	s3 =	simm.s32 $0x108;
	s8 =	sld [smem:$0x3FA0]  }
0x2e: {  	s3 =	simm.s32 @!p0 $0x1082;
	s9 =	sld [smem:$0x3FA1]  }
0x2f: {  	lr =	sadd.s32 s0, s3;
	s0 =	sld [smem:$0x3F98]  }
0x30: {  	s3 =	sld [smem:$0x3F9B]  }
0x31: {  	[smem:$0x3FA4] =	sst s10  }
0x32: {  	s10 =	sld [smem:$0x3FA2];
	_ =	sdelay $0x3  }
0x33: {  	p0 =	seq.s32 s10, $0x1;
	s10 =	sld [smem:$0x3FA4];
	_ =	sdelay $0x3  }
0x34: {  	[smem:$0x3FA4] =	sst s10  }
0x35: {  	s10 =	sld [smem:$0x3FA3];
	_ =	sdelay $0x3  }
0x36: {  	p1 =	seq.s32 s10, $0x1;
	s10 =	sld [smem:$0x3FA4];
	_ =	sdelay $0x3  }
0x37: {  	[smem:$0x3FA4] =	sst s10  }
0x38: {  	s10 =	sld [smem:$0x3FA5]  }
0x39: {  	_ = 	snop;
	(pc) =	sbr.ind lr, $3  }
0x3a: {  	_ = 	snop  }
0x3b: {  	_ = 	snop  }
0x3c: {  	p2 =	seq.s32 s10, $0x1;
	s10 =	sld [smem:$0x3FA4]  }
0x3d: {  	_ =	shalt  }
0x3e: {  	_ =	shalt  }
0x3f: {  	_ =	shalt  }
0x40: {  	_ =	shalt  }
0x41: {  	_ =	shalt  }
0x42: {  	_ =	shalt  }
0x43: {  	_ =	shalt  }
0x44: {  	_ =	shalt  }
0x45: {  	_ =	shalt  }
0x46: {  	_ =	shalt  }
0x47: {  	_ =	shalt  }
0x48: {  	_ =	shalt  }
0x49: {  	_ =	shalt  }
0x4a: {  	_ =	shalt  }
0x4b: {  	_ =	shalt  }
0x4c: {  	_ =	shalt  }
0x4d: {  	_ =	shalt  }
0x4e: {  	_ =	shalt  }
0x4f: {  	_ =	shalt  }
0x50: {  	_ =	shalt  }
0x51: {  	_ =	shalt  }
0x52: {  	_ =	shalt  }
0x53: {  	_ =	shalt  }
0x54: {  	_ =	shalt  }
0x55: {  	_ =	shalt  }
0x56: {  	_ =	shalt  }
0x57: {  	_ =	shalt  }
0x58: {  	_ =	shalt  }
0x59: {  	_ =	shalt  }
0x5a: {  	_ =	shalt  }
0x5b: {  	_ =	shalt  }
0x5c: {  	_ =	shalt  }
0x5d: {  	_ =	shalt  }
0x5e: {  	_ =	shalt  }
0x5f: {  	_ =	shalt  }
0x60: {  	_ =	shalt  }
0x61: {  	_ =	shalt  }
0x62: {  	_ =	shalt  }
0x63: {  	_ =	shalt  }
0x64: {  	_ =	shalt  }
0x65: {  	_ =	shalt  }
0x66: {  	_ =	shalt  }
0x67: {  	_ =	shalt  }
0x68: {  	_ =	shalt  }
0x69: {  	_ =	shalt  }
0x6a: {  	_ =	shalt  }
0x6b: {  	_ =	shalt  }
0x6c: {  	_ =	shalt  }
0x6d: {  	_ =	shalt  }
0x6e: {  	_ =	shalt  }
0x6f: {  	_ =	shalt  }
0x70: {  	_ =	shalt  }
0x71: {  	_ =	shalt  }
0x72: {  	_ =	shalt  }
0x73: {  	_ =	shalt  }
0x74: {  	_ =	shalt  }
0x75: {  	_ =	shalt  }
0x76: {  	_ =	shalt  }
0x77: {  	_ =	shalt  }
0x78: {  	_ =	shalt  }
0x79: {  	_ =	shalt  }
0x7a: {  	_ =	shalt  }
0x7b: {  	_ =	shalt  }
0x7c: {  	_ =	shalt  }
0x7d: {  	_ =	shalt  }
0x7e: {  	_ =	shalt  }
0x7f: {  	_ =	shalt  }
0x80: {  	_ =	shalt  }
0x81: {  	_ =	shalt  }
0x82: {  	_ =	shalt  }
0x83: {  	_ =	shalt  }
0x84: {  	_ =	shalt  }
0x85: {  	_ =	shalt  }
0x86: {  	_ =	shalt  }
0x87: {  	_ =	shalt  }
.Lfunc_end0:
.L_simem_size_0:
called_computation_lowered:
.L_overlay_start_0:
0x88: {  	s0 =	sld [smem:$0x3FD9]  }
0x89: {  	s1 =	sld [smem:$0x3FFE];
	_ =	sdelay $0x3  }
0x8a: {  	s0 =	sadd.s32 s1, s0  }
0x8b: {  	[smem:$0x3FB0] =	sst s0  }
0x8c: {  	_ = 	snop  }
0x8d: {  	(tm) =	ssettm $0x1  }
0x8e: {  	s15 =	sld [smem:$0x3FFB];
	_ =	sdelay $0x3  }
0x8f: {  	_ =	strace s15  }
0x90: {  	s0 =	sld [smem:$0x3FFC];
	_ =	sdelay $0x3  }
0x91: {  	_ =	strace s0  }
0x92: {  	s0 =	sld [smem:$0x3FFD];
	_ =	sdelay $0x3  }
0x93: {  	_ =	strace s0  }
0x94: {  	_ =	strace $0x8FFFFFFF  }
0x95: {  	s16 =	sld [smem:$0x3FDB];
	_ =	sdelay $0x1  }
0x96: {  	s17 =	simm.s32 $_scs_section_size  }
0x97: {  	s2 =	simm.s32 $_size__tile_overlayer_lowered;
	s3 =	simm.s32 $_tile_overlayer_lowered  }
0x98: {  	s20 =	simm.s32 $0x1BFF;
	s19 =	sshll.u32 s3, $0x1;
	s0 =	sadd.s32 s17, s16  }
0x99: {  	s4 =	simm.s32 $0x0;
	s18 =	sshll.u32 s2, $0x1;
	s2 =	sadd.s32 s19, s0  }
0x9a: {  	[timem:s4], [sflag:s20] =	dma.local [hbm:s2], s18  }
0x9b: {  	_ =	swait.ge [sflag:s20], s18  }
0x9c: {  	s1 =	ssub.s32 $0x0, s18;
	[sflag:s20] =	ssyncset.done $0x0  }
0x9d: {  	[sflag:s20] =	ssyncadd.s32 s1;
	_ =	sdelay $0x1  }
0x9e: {  	s21 =	simm.s32 $0x1B8B  }
0x9f: {  	_ =	swait.ge [sflag:s21], $0x1  }
0xa0: {  	[sflag:s21] =	ssyncset.done $0x0  }
0xa1: {  	s23 =	simm.s32 $0x1B8E;
	s22 =	sld [smem:$0x3FFE];
	[sflag:s21] =	ssyncadd.s32 $0xFFFFFFFF  }
0xa2: {  	s24 =	simm.s32 $execute0_lowered;
	[smem:$0x3FD2] =	sst s23  }
0xa3: {  	s2 =	sshll.u32 s24, $0x1;
	_ =	strace $0x80000046;
	[dreg:$0x1] =	wrdreg $0xFFFFFFFF  }
0xa4: {  	s25 =	simm.s32 $_size_execute0_lowered;
	s0 =	sadd.s32 s0, s2;
	[dreg:$0x0] =	wrdreg $0x0  }
0xa5: {  	s2 =	sshll.u32 s25, $0x1;
	[dreg:$0x2] =	wrdreg s0  }
0xa6: {  	[dreg:$0x3] =	wrdreg s2  }
0xa7: {  	[dreg:$0x4] =	wrdreg $0xC0  }
0xa8: {  	_ =	task [dreg:s4], $0x5FFFF  }
0xa9: {  	[dreg:$0x1] =	wrdreg $0xFFFFFFFF  }
0xaa: {  	[dreg:$0x0] =	wrdreg $0x60  }
0xab: {  	[dreg:$0x2] =	wrdreg s22  }
0xac: {  	[dreg:$0x3] =	wrdreg $0x9  }
0xad: {  	_ =	task.clear_ibuf [dreg:s4], $0x4FFFF;
	_ =	strace $0x90000046  }
0xae: {  	s26 =	simm.s32 $0x9;
	_ =	strace $0x80000048  }
0xaf: {  	_ =	swait.ge [sflag:s26], $0x1  }
0xb0: {  	[sflag:s26] =	ssyncadd.s32 $0xFFFFFFFF  }
0xb1: {  	_ =	strace $0x90000048  }
0xb2: {  	_ =	sfence  }
0xb3: {  	s28 =	sld [smem:$0x0];
	_ =	sdelay $0x1  }
0xb4: {  	s29 =	srdreg.scid  }
0xb5: {  	s30 =	sshll.u32 s29, $0xD;
	s31 =	sshrl.u32 s29, $0x2  }
0xb6: {  	s1 =	sand.u32 $0x1, s29;
	s2 =	sand.u32 $0x4000, s30;
	s0 =	sadd.s32 s31, s28  }
0xb7: {  	s1 =	sor.u32 s2, s1;
	s0 =	sshll.u32 s0, $0x11  }
0xb8: {  	s0 =	sor.u32 s0, s1  }
0xb9: {  	s0 =	sadd.s32 $0x8F2B, s0  }
0xba: {  	[sflag:s0] =	ssyncadd.remote.s32 $0x1  }
0xbb: {  	_ =	sfence.sel $0xFFFF  }
0xbc: {  	[dreg:$0x0] =	wrdreg $0xFFFFFFFF;
	(pc) =	sbr.abs _section_cstart, $3  }
0xbd: {  	[dreg:$0x1] =	wrdreg $0xFFFFFFFF  }
0xbe: {  	_ =	task.clear_ibuf [dreg:s4], $0x2FFFF;
	_ =	strace $0x9FFFFFFF  }
0xbf: {  	(tm) =	ssettm $0x7FFFFFFF  }
tec
execute0_lowered:
.L_overlay_start_1:
0x0: {  	(tag) =	ssettag $0x1  }
0x1: {  	s0 =	rddreg [dreg:$0x0]  }
0x2: {  	s14 =	stileid.u32;
	_ =	strace $0x80000047;
	s2 =	simm.s32 $0x1  }
0x3: {  	v1 =	vimm.s32 $0xFFFFFFFF;
	s1 =	smin.u32 s14, $0x4;
	[sflag:s2] =	ssyncpa.u1 $0x0  }
0x4: {  	s1 =	sadd.s32 s14, s1;
	[tilespmem:$0x10] =	vst v1  }
0x5: {  	v0 =	vimm.f32 $0.0e+00;
	p0 =	slt.u32 s14, $0x4;
	[tilespmem:$0x20] =	vst v1;
	s3 =	smul.u32 $0x1F40, s1;
	s1 =	simm.s32 $0x3E80  }
0x6: {  	[tilespmem:$0x30] =	vst v0;
	s1 =	simm.s32 @!p0 $0x1F40  }
0x7: {  	[tilespmem:$0x40] =	vst v0;
	s1 =	sadd.s32 s1, s3  }
0x8: {  	[tilespmem:$0x50] =	vst v0;
	s4 =	smin.u32 s1, $0x27100  }
0x9: {  	[tilespmem:$0x60] =	vst v1;
	s9 =	ssub.s32 s4, s3  }
0xa: {  	s7 =	simm.s32 $0x2;
	s8 =	simm.s32 $0x8;
	[tilespmem:$0x70] =	vst v1;
	p0 =	sgt.s32 s9, $0x0  }
0xb: {  	s31 =	simm.s32 $0x9;
	s16 =	simm.s32 $0x0;
	[tilespmem:$0x80] =	vst v1;
	s9 =	simm.s32 @!p0 $0x0  }
0xc: {  	s17 =	simm.s32 $0xF0;
	s18 =	simm.s32 $0xFFFFFFFF;
	v1 =	vimm.s32 $0x0;
	[tilespmem:$0xB0] =	vst v0;
	s5 =	smulhi.u32 $0x10624DD3, s9  }
0xd: {  	s19 =	simm.s32 $0xFFFFC280;
	s20 =	simm.s32 $0xFFFFFFFE;
	s21 =	simm.s32 $0xF;
	[tilespmem:$0x90] =	vst v1  }
0xe: {  	[tilespmem:$0xA0] =	vst v1;
	[sflag:s7] =	ssyncpa.u1 $0x0;
	s7 =	simm.s32 $0x7;
	s10 =	sshrl.u32 s5, $0x9  }
0xf: {  	s25 =	simm.s32 $0x0;
	[sflag:s7] =	ssyncpa.u1 $0x0;
	s11 =	smul.u32 $0x1F40, s10  }
0x10: {  	s24 =	simm.s32 $0x0;
	s6 =	sadd.s32 $0x11800, s0;
	[sflag:s8] =	ssyncpa.u1 $0x0  }
.Ltmp0:
0x11: {  	s23 =	smov.u32 s3;
	p0 =	sne.s32 s9, s11;
	(pc) =	sbr.rel .LBB2_1-.Ltmp0, $4  }
0x12: {  	s1 =	sadd.s32 $0x48800, s0;
	[sflag:s31] =	ssyncpa.u1 $0x0;
	s2 =	simm.s32 @!p0 $0x0  }
0x13: {  	s5 =	sadd.s32 $0xC800, s0;
	p0 =	por $0x0, $0x0;
	s9 =	sadd.s32 s2, s10  }
0x14: {  	vm0 =	vmmov $0xffff;
	v2 =	vlaneseq.u32;
	s10 =	sshll.u32 s14, $0x1;
	s14 =	sshllo.u32 s14, $0x1;
	s11 =	sadd.s32 $0x1, s9  }
0x15: {  	vm1 =	vmxor vm1, vm1;
	vm2 =	vmmov $0x1;
	vm3 =	vcmask $0x3F3C;
	s12 =	sadd.s32 $0x2, s9;
	s13 =	sor.u32 $0x81, s10;
	s15 =	sor.u32 $0x80, s10  }
.LBB2_9:
0x16: {  	p1 =	slt.u32 s24, $0x3  }
0x17: {  	s0 =	simm.s32 @!p1 $0x2  }
0x18: {  	_ =	swait.ge @!p1 [sflag:s0], $0x1F40  }
0x19: {  	[sflag:s0] =	ssyncset.done @!p1 $0x0  }
0x1a: {  	[sflag:s0] =	ssyncadd.s32 @!p1 $0xFFFFE0C0;
	s0 =	simm.s32 @!p1 $0x9  }
0x1b: {  	_ =	swait.ge @!p1 [sflag:s0], $0x10  }
0x1c: {  	[sflag:s0] =	ssyncset.done @!p1 $0x0  }
0x1d: {  	[sflag:s0] =	ssyncadd.s32 @!p1 $0xFFFFFFF0;
	p1 =	sne.s32 s24, s12  }
.Ltmp1:
0x1e: {  	s2 =	sadd.s32 $0x1F40, s23;
	(pc) =	sbr.rel @!p1 .LBB2_10-.Ltmp1, $4  }
0x1f: {  	s22 =	smov.u32 s3;
	s31 =	sadd.s32 $0x1, s24;
	s17 =	sadd.s32 $0x1F40, s17  }
0x20: {  	s18 =	sadd.s32 $0x1, s18;
	s25 =	smov.u32 s23;
	p2 =	slt.s32 s2, s4  }
0x21: {  	p0 =	por !p0, !p0;
	s19 =	sadd.s32 $0x1F40, s19;
	s22 =	smov.u32 @p2 s2  }
0x22: {  	s20 =	sadd.s32 $0x1, s20;
	s23 =	smov.u32 s22;
	s24 =	smov.u32 s31  }
.LBB2_1:
0x23: {  	p1 =	sge.u32 s24, s9  }
0x24: {  	s0 =	smulhi.u32 @!p1 $0xAAAAAAAB, s24;
	_ =	sdelay $0x1  }
0x25: {  	s0 =	sshrl.u32 @!p1 s0, $0x1  }
0x26: {  	s0 =	smul.u32 @!p1 $0x3, s0;
	_ =	sdelay $0x1  }
0x27: {  	s0 =	ssub.s32 @!p1 s24, s0  }
0x28: {  	s0 =	smul.u32 @!p1 $0x7D00, s0;
	_ =	sdelay $0x1  }
0x29: {  	s2 =	sshrl.u32 @!p1 s23, $0x3;
	s0 =	sshrl.u32 @!p1 s0, $0x2  }
0x2a: {  	s22 =	sand.u32 @!p1 $0x7, s23;
	s2 =	sadd.s32 @!p1 s5, s2;
	s0 =	sadd.s32 @!p1 $0x100, s0  }
0x2b: {  	[tilespmem:s0], [sflag:$0x7] =	stream.linear.gather @!p1 [hbm4b:s2+s22], $0x1F40, $0x38;
	[tilespmem:$0x11A60] =	vst v63  }
0x2c: {  	s0 =	sadd.s32 $0xFFFFFFFF, s24  }
0x2d: {  	p1 =	sge.u32 s0, s9  }
.Ltmp2:
0x2e: {  	_ = 	snop;
	(pc) =	sbr.rel @p1 .LBB2_5-.Ltmp2, $1  }
0x2f: {  	_ =	sdelay $0x3  }
0x30: {  	s2 =	smulhi.u32 $0xAAAAAAAB, s0;
	_ =	sdelay $0x1  }
0x31: {  	s2 =	sshrl.u32 s2, $0x1  }
0x32: {  	s2 =	smul.u32 $0x3, s2;
	_ =	sdelay $0x1  }
0x33: {  	s2 =	ssub.s32 s0, s2  }
0x34: {  	s2 =	smul.u32 $0x7D00, s2  }
0x35: {  	_ =	swait.ge [sflag:s7], $0x1F40  }
0x36: {  	[sflag:s7] =	ssyncset.done $0x0;
	s2 =	sshrl.u32 s2, $0x2  }
0x37: {  	[sflag:s7] =	ssyncadd.s32 $0xFFFFE0C0;
	(ifvalue) =	ssetifvalue $0xFFFFFFFF;
	v3 =	vld.msk [tilespmem:s2+$0x100 ss:$0x1], $0xffff;
	_ =	sdelay $0x2  }
0x38: {  	s30 =	smulhi.u32 $0xAAAAAAAB, s18;
	p1 =	sne.s32 s24, $0x1  }
0x39: {  	v4 =	vimm.s32 @!p1 $0x0  }
0x3a: {  	s2 =	sshrl.u32 s30, $0x1;
	v4 =	vperm.xlane @!p1 v3, v4  }
0x3b: {  	s22 =	sshll.u32 s24, $0x4;
	s2 =	smul.u32 $0xFFFE8900, s2;
	vm4 =	vlt.u32 v3, $0x2800  }
0x3c: {  	s22 =	sand.u32 $0x10, s22;
	v3 =	vnsel vm4, $0xFFFFFFFE, v3;
	vm4 =	vlt.u32 @!p1 v4, $0x2800  }
0x3d: {  	s2 =	sshra.s32 s2, $0x2;
	[tilespmem:s22+$0x60] =	vst v3;
	v3 =	vnsel @!p1 vm4, $0xFFFFFFFE, v4  }
0x3e: {  	s28 =	sadd.s32 s2, s17;
	[tilespmem:$0x80] =	vst @!p1 v3  }
0x3f: {  	v3 =	vld.msk [tilespmem:s28+$0x0 ss:$0x1], $0xffff;
	_ =	sdelay $0x4  }
0x40: {  	(xrf1) =	vunique.msk.u32 $0xffff, v3;
	_ =	sdelay $0xd  }
0x41: {  	v4 =	vimm.s32 $0xFFFFFFFF;
	v5, _, _ =	vpop (xrf1)  }
0x42: {  	vm5 =	vne.s32 v3, v4;
	vm4 =	veq.s32 v5, v2  }
0x43: {  	vm6 =	vlt.u32 v3, $0x2800;
	vm4 =	vmand vm5, vm4  }
0x44: {  	vm4 =	vmand vm6, vm4  }
0x45: {  	v4 =	vnsel vm4, $0xFFFFFFFF, v3  }
0x46: {  	s31 =	sand.u32 $0x1, s0  }
0x47: {  	s0 =	simm.s32 $0x1F40;
	p1 =	seq.s32 s31, $0x1  }
0x48: {  	s0 =	simm.s32 @!p1 $0x0  }
0x49: {  	s26 =	sadd.s32 $0x7DF0, s0;
	(ifvalue) =	ssetifvalue $0xFFFFFFFF  }
0x4a: {  	v3 =	vperm.xlane v3, v1;
	[tilespmem:s26], [sflag:$0x8] =	stream.indirect_vreg.gather [hbm4b:s1+s16], $0x1, v4, vm0, $0x4038;
	v4 =	vnsel vm6, $0xFFFFFFFE, v4;
	[tilespmem:$0x11A60] =	vst v63  }
0x4b: {  	s2 =	simm.s32 $0x0;
	s22 =	sadd.s32 $0xFFFFFFF0, s28;
	[tilespmem:s28+$0x0] =	vst v4  }
.LBB2_3:
0x4c: {  	v4 =	vld.msk [tilespmem:s22+$0x0 ss:$0x1], $0xffff;
	s2 =	sadd.s32 $0x10, s2;
	v5 =	vmov v3;
	s28 =	smov.u32 s22  }
0x4d: {  	p1 =	slt.u32 s2, $0x1F30;
	_ =	sdelay $0x4  }
0x4e: {  	v3 =	vperm.xlane v4, v1;
	(xrf1) =	vunique.msk.u32 $0xffff, v4;
	_ =	sdelay $0xd  }
0x4f: {  	v6, _, _ =	vpop (xrf1)  }
0x50: {  	vm5 =	vne.s32 v4, v5;
	vm4 =	veq.s32 v6, v2  }
0x51: {  	vm6 =	vlt.u32 v4, $0x2800;
	vm4 =	vmand vm5, vm4  }
0x52: {  	vm4 =	vmand vm6, vm4  }
0x53: {  	v4 =	vnsel vm4, $0xFFFFFFFF, v4  }
.Ltmp3:
0x54: {  	v5 =	vnsel vm6, $0xFFFFFFFE, v4;
	(pc) =	sbr.rel @p1 .LBB2_3-.Ltmp3, $3  }
0x55: {  	_ =	sdelay $0x1  }
0x56: {  	s22 =	sadd.s32 $0xFFFFFFF0, s22;
	s26 =	sadd.s32 $0xFFFFFFF0, s26;
	(ifvalue) =	ssetifvalue $0xFFFFFFFF  }
0x57: {  	[tilespmem:s26], [sflag:$0x8] =	stream.indirect_vreg.gather [hbm4b:s1+s16], $0x1, v4, vm0, $0x4038;
	[tilespmem:s28+$0x0] =	vst v5  }
0x58: {  	s2 =	sshrl.u32 s25, $0x3  }
0x59: {  	s0 =	sadd.s32 $0x9D40, s0;
	s2 =	sadd.s32 s6, s2  }
0x5a: {  	[tilespmem:s0], [sflag:$0x8] =	stream.linear.gather [hbm:s2], $0x1F40, $0x38;
	[tilespmem:$0x11A60] =	vst v63  }
.LBB2_5:
0x5b: {  	p1 =	slt.u32 s24, $0x2  }
0x5c: {  	p2 =	sge.u32 @!p1 s24, s12  }
0x5d: {  	p1 =	por p1, p2  }
.Ltmp4:
0x5e: {  	_ = 	snop;
	(pc) =	sbr.rel @p1 .LBB2_9-.Ltmp4, $1  }
0x5f: {  	_ =	sdelay $0x3  }
0x60: {  	s0 =	sadd.s32 $0xFFFFFFFE, s24  }
0x61: {  	s2 =	smulhi.u32 $0xAAAAAAAB, s0;
	_ =	sdelay $0x1  }
0x62: {  	s2 =	sshrl.u32 s2, $0x1  }
0x63: {  	s2 =	smul.u32 $0x3, s2;
	_ =	sdelay $0x1  }
0x64: {  	s0 =	ssub.s32 s0, s2  }
0x65: {  	_ =	swait.ge [sflag:s8], $0x3E80;
	s0 =	smul.u32 $0x1F40, s0  }
0x66: {  	p1 =	sne.s32 s24, s11;
	[sflag:s8] =	ssyncset.done $0x0  }
0x67: {  	[sflag:s8] =	ssyncadd.s32 $0xFFFFC180;
	s2 =	sadd.s32 @!p1 $0x203F, s0  }
0x68: {  	[spmem:s13] =	stream.linear.scatter @!p1 [tilespmem:s2], [sflag:$0x1], $0x1, $0x38;
	[tilespmem:$0x11A60] =	vst v63  }
0x69: {  	s2 =	simm.s32 @!p1 $0x1  }
0x6a: {  	_ =	swait.ge @!p1 [sflag:s2], $0x1  }
0x6b: {  	s22 =	sshll.u32 s24, $0x4;
	[sflag:s2] =	ssyncset.done @!p1 $0x0  }
0x6c: {  	s25 =	sand.u32 $0x10, s22;
	[sflag:s2] =	ssyncadd.s32 @!p1 $0xFFFFFFFF  }
0x6d: {  	s2 =	sxor.u32 $0x10, s25;
	v4 =	vld [tilespmem:s25+$0x10]  }
0x6e: {  	v5 =	vld [tilespmem:s2+$0x60]  }
0x6f: {  	v3 =	vld [tilespmem:$0x80];
	_ =	sdelay $0x2  }
0x70: {  	(v2sf) =	vpush v4, $0x0  }
0x71: {  	(v2sf) =	vpush v5, $0x0  }
0x72: {  	(v2sf) =	vpush v3, $0x0;
	_ =	sdelay $0xc  }
0x73: {  	s22 =	spop (v2sf)  }
0x74: {  	s26 =	spop (v2sf)  }
0x75: {  	s28 =	spop (v2sf)  }
0x76: {  	p2 =	seq.s32 s22, s26;
	p3 =	seq.s32 s28, s22  }
0x77: {  	p3 =	por p2, p3  }
0x78: {  	s26 =	sand.u32 $0x1, s24;
	v4 =	vpsel p3, $0xFFFFFFFF, v4  }
0x79: {  	s29 =	smul.u32 $0x1F40, s26;
	[tilespmem:s25+$0x10] =	vst.msk $0x1, v4  }
0x7a: {  	v4 =	vld [tilespmem:$0x30]  }
0x7b: {  	v5 =	vld [tilespmem:s29+$0x9D40]  }
0x7c: {  	v6 =	vld [tilespmem:s25+$0x40];
	_ =	sdelay $0x3  }
0x7d: {  	vm4 =	vmmov vm1;
	v5 =	vadd.f32 v5, v4  }
0x7e: {  	vm5 =	vmmov vm2;
	vm4 =	vmmov @p2 vm2;
	s22 =	sshll.u32 s26, $0x4;
	v4 =	vadd.f32 v6, v4  }
0x7f: {  	s26 =	sor.u32 $0x11A40, s22;
	vm5 =	vmmov @p3 vm1;
	[tilespmem:s29+$0x9D40] =	vst.msk vm4, v5  }
0x80: {  	[tilespmem:s26+$0x0] =	vst.msk vm5, v4  }
0x81: {  	v4 =	vld [tilespmem:s29+$0x7DF0];
	_ =	sdelay $0x3  }
0x82: {  	v5 =	vimm.f32 $0.0e+00  }
0x83: {  	v4 =	vshift.insert v4, v5, s21  }
0x84: {  	s22 =	sor.u32 $0x40, s2  }
0x85: {  	[tilespmem:s22+$0x0] =	vst.msk $0x1, v4  }
0x86: {  	[tilespmem:s29+$0x7DFF] =	vst.msk $0x1, v5  }
0x87: {  	v4 =	vld [tilespmem:s0+$0x2030];
	_ =	sdelay $0x1  }
0x88: {  	s22 =	smulhi.u32 $0xAAAAAAAB, s20;
	s0 =	simm.s32 $0x1  }
0x89: {  	s0 =	simm.s32 @!p0 $0x0  }
0x8a: {  	s22 =	sshrl.u32 s22, $0x1;
	s0 =	smul.u32 $0x7D00, s0  }
0x8b: {  	s22 =	smul.u32 $0xFFFE8900, s22;
	v4 =	vshift.insert v4, v1, s21  }
0x8c: {  	s0 =	sshrl.u32 s0, $0x2  }
0x8d: {  	s22 =	sshra.s32 s22, $0x2;
	s30 =	sadd.s32 $0x9D40, s0;
	[tilespmem:s2+$0x10] =	vst.msk $0x1, v4  }
0x8e: {  	s22 =	sadd.s32 s22, s19;
	v6 =	vld [tilespmem:s30+$0x0]  }
0x8f: {  	v7 =	vld [tilespmem:s22+$0x0];
	_ =	sdelay $0x3  }
0x90: {  	v5 =	vadd.f32 v6, v5  }
0x91: {  	vm4 =	vne.s32 v7, $0xFFFFFFFF  }
0x92: {  	(xrf2) =	vadd.seg.scan.f32 vm4, v5;
	_ =	sdelay $0x3  }
0x93: {  	s31 =	sadd.s32 $0x5EC0, s0;
	v5 =	vperm.xlane v4, v1  }
0x94: {  	v6 =	vld [tilespmem:s31+$0x0]  }
0x95: {  	vm5 =	veq.s32 v7, v3;
	vm6 =	veq.s32 v7, v5  }
0x96: {  	vm7 =	vgt.u32 v7, $0xFFFFFFFD;
	vm6 =	vmor vm6, vm5  }
0x97: {  	vm6 =	vmor vm6, vm7  }
0x98: {  	v9 =	vld [tilespmem:$0xA0];
	v7 =	vsel vm6, $0xFFFFFFFF, v7  }
0x99: {  	v10 =	vld [tilespmem:$0x90];
	v6 =	vsel vm5, $0x0, v6;
	v8, _, _ =	vpop (xrf2)  }
0x9a: {  	v6 =	vadd.f32 v8, v6  }
0x9b: {  	s0 =	sadd.s32 $0xDBC0, s0  }
0x9c: {  	vm4 =	vmand vm4, vm3;
	[tilespmem:s0+$0x0] =	vst v6;
	(ifvalue) =	ssetifvalue $0xFFFFFFFF  }
0x9d: {  	vm6 =	veq.s32 v9, $0x1;
	[hbm4b:s1+s16] =	stream.indirect_vreg.scatter [tilespmem:s0], [sflag:$0x2], $0x1, v7, vm0, $0x4038;
	v7 =	vsel vm4, $0x0, v8;
	[tilespmem:$0x11A60] =	vst v63  }
0x9e: {  	s2 =	simm.s32 $0x0;
	s22 =	sadd.s32 $0x10, s22;
	vm4 =	vmor vm6, vm5;
	v6 =	vsel vm5, v8, v10;
	v7 =	vshift.insert v7, v0, s21  }
.LBB2_7:
0x9f: {  	v8 =	vld [tilespmem:s22+$0x0];
	s30 =	sadd.s32 $0x10, s30  }
0xa0: {  	s31 =	sadd.s32 $0x10, s31;
	v9 =	vld [tilespmem:s30+$0x0]  }
0xa1: {  	s2 =	sadd.s32 $0x10, s2;
	v10 =	vld [tilespmem:s31+$0x0]  }
0xa2: {  	p2 =	slt.u32 s2, $0x1F30;
	_ =	sdelay $0x2  }
0xa3: {  	v7 =	vadd.f32 v9, v7  }
0xa4: {  	vm5 =	vne.s32 v8, $0xFFFFFFFF  }
0xa5: {  	vm6 =	vmand vm5, vm3;
	(xrf2) =	vadd.seg.scan.f32 vm5, v7;
	_ =	sdelay $0x5  }
0xa6: {  	vm7 =	veq.s32 v8, v5;
	vm5 =	veq.s32 v8, v3  }
0xa7: {  	vm8 =	vgt.u32 v8, $0xFFFFFFFD;
	vm4 =	vmor vm4, vm5;
	vm7 =	vmor vm7, vm5  }
0xa8: {  	vm7 =	vmor vm7, vm8  }
0xa9: {  	v8 =	vsel vm7, $0xFFFFFFFF, v8  }
.Ltmp5:
0xaa: {  	v7 =	vsel vm5, $0x0, v10;
	v9, _, _ =	vpop (xrf2);
	(pc) =	sbr.rel @p2 .LBB2_7-.Ltmp5, $4  }
0xab: {  	v6 =	vsel vm5, v9, v6;
	v10 =	vadd.f32 v9, v7;
	v7 =	vsel vm6, $0x0, v9  }
0xac: {  	s0 =	sadd.s32 $0x10, s0;
	v7 =	vshift.insert v7, v0, s21  }
0xad: {  	s22 =	sadd.s32 $0x10, s22;
	[tilespmem:s0+$0x0] =	vst v10;
	(ifvalue) =	ssetifvalue $0xFFFFFFFF  }
0xae: {  	[hbm4b:s1+s16] =	stream.indirect_vreg.scatter [tilespmem:s0], [sflag:$0x2], $0x1, v8, vm0, $0x4038;
	[tilespmem:$0x11A60] =	vst v63  }
0xaf: {  	v3 =	vld [tilespmem:s29+$0xFAF0];
	_ =	sdelay $0x4  }
0xb0: {  	v3 =	vshift.insert v3, v0, s21  }
0xb1: {  	s0 =	simm.s32 $0x30  }
0xb2: {  	[tilespmem:s0+$0x0] =	vst.msk $0x1, v3  }
0xb3: {  	v3 =	vsel vm4, $0x1, v1;
	[tilespmem:$0x90] =	vst v6  }
0xb4: {  	s0 =	sadd.s32 @!p1 $0xFAFF, s29;
	[tilespmem:$0xA0] =	vst v3  }
0xb5: {  	[spmem:s14] =	stream.linear.scatter @!p1 [tilespmem:s0], [sflag:$0x1], $0x1, $0x38;
	[tilespmem:$0x11A60] =	vst v63  }
0xb6: {  	s0 =	simm.s32 @!p1 $0x1  }
0xb7: {  	v3 =	vmctz.xlane @!p1 vm4;
	_ =	swait.ge @!p1 [sflag:s0], $0x1  }
0xb8: {  	(v2sf) =	vpush @!p1 v4, $0x0  }
0xb9: {  	(v2sf) =	vpush @!p1 v3, $0x0;
	_ =	sdelay $0xd  }
0xba: {  	s2 =	spop @!p1 (v2sf)  }
0xbb: {  	s22 =	spop @!p1 (v2sf)  }
0xbc: {  	p2 =	sne.s32 @!p1 s28, s2;
	p3 =	slt.s32 @!p1 s22, $0xF  }
0xbd: {  	[sflag:s0] =	ssyncset.done @!p1 $0x0;
	p2 =	por p2, p1;
	p3 =	por !p3, p1  }
0xbe: {  	[sflag:s0] =	ssyncadd.s32 @!p1 $0xFFFFFFFF;
	v3 =	vimm.s32 @!p2 $0xFFFFFFFF;
	s22 =	simm.s32 @p3 $0xF  }
0xbf: {  	[tilespmem:$0x80] =	vst @!p2 v3;
	s2 =	sadd.s32 @!p1 $0x90, s22  }
0xc0: {  	[spmem:s10] =	stream.linear.scatter @!p1 [tilespmem:s2], [sflag:$0x1], $0x1, $0x38;
	[tilespmem:$0x11A60] =	vst v63  }
0xc1: {  	_ =	swait.ge @!p1 [sflag:s0], $0x1  }
0xc2: {  	[sflag:s0] =	ssyncset.done @!p1 $0x0  }
0xc3: {  	s2 =	simm.s32 @!p1 $0x80;
	[sflag:s0] =	ssyncadd.s32 @!p1 $0xFFFFFFFF  }
0xc4: {  	[spmem:s15] =	stream.linear.scatter @!p1 [tilespmem:s2], [sflag:$0x1], $0x1, $0x38;
	[tilespmem:$0x11A60] =	vst v63  }
0xc5: {  	_ =	swait.ge @!p1 [sflag:s0], $0x1  }
0xc6: {  	[sflag:s0] =	ssyncset.done @!p1 $0x0  }
0xc7: {  	[sflag:s0] =	ssyncadd.s32 @!p1 $0xFFFFFFFF;
	(ifvalue) =	ssetifvalue $0xFFFFFFFF;
	v3 =	vld [tilespmem:s25+$0x10];
	_ =	sdelay $0x3  }
.Ltmp6:
0xc8: {  	_ = 	snop;
	(pc) =	sbr.rel .LBB2_9-.Ltmp6, $3  }
0xc9: {  	_ =	sdelay $0x1  }
0xca: {  	(ifvalue) =	ssetifvalue $0xFFFFFFFF  }
0xcb: {  	[hbm4b:s1+s16] =	stream.indirect_vreg.scatter [tilespmem:s26], [sflag:$0x9], $0x1, v3, vm0, $0x4038;
	[tilespmem:$0x11A60] =	vst v63  }
.LBB2_10:
0xcc: {  	_ =	sfence.sel $0x180000  }
0xcd: {  	s0 =	simm.s32 $0x7;
	[bflag:$0x0] =	sbarrier.arrive $0xFFFF  }
0xce: {  	s26 =	simm.s32 $0x8;
	[sflag:s0] =	ssyncpa.u1 $0x1  }
0xcf: {  	s28 =	simm.s32 $0x9;
	[sflag:s26] =	ssyncpa.u1 $0x1  }
0xd0: {  	[sflag:s28] =	ssyncpa.u1 $0x1  }
0xd1: {  	_ =	sfence.stream.spmem  }
0xd2: {  	s29 =	simm.s32 $0x3;
	[bflag:$0x0] =	sbarrier.arrive $0xFFFF  }
0xd3: {  	s30 =	simm.s32 $0x4;
	[sflag:s29] =	ssyncpa.u1 $0x1  }
0xd4: {  	s31 =	simm.s32 $0x3C;
	s2 =	stileid.u32;
	[sflag:s30] =	ssyncpa.u1 $0x1  }
0xd5: {  	p0 =	sne.s32 s2, $0x0;
	[sflag:s31] =	ssyncpa.u1 $0x1  }
0xd6: {  	s0 =	simm.s32 @p0 $0x1;
	_ =	sfence @p0  }
0xd7: {  	[sflag:s0] =	ssyncpa.u1 @p0 $0x1;
	s0 =	simm.s32 @p0 $0x2  }
0xd8: {  	[sflag:s0] =	ssyncpa.u1 @p0 $0x1  }
0xd9: {  	_ =	strace @p0 $0x90000047  }
0xda: {  	[bflag:$0x2] =	sbarrier.arrive @p0 $0xFFFF  }
0xdb: {  	_ =	shalt @p0  }
.LBB2_11:
0xdc: {  	_ =	sfence.stream.spmem;
	s0 =	simm.s32 $0x5  }
0xdd: {  	s2 =	simm.s32 $0x80;
	s3 =	simm.s32 $0xC0;
	[sflag:s0] =	ssyncpa.u1 $0x0  }
0xde: {  	[tilespmem:s3], [sflag:$0x5] =	stream.linear.gather [spmem:s2], $0x20, $0x38;
	[tilespmem:$0x11A60] =	vst v63  }
0xdf: {  	s2 =	simm.s32 $0x0;
	s3 =	simm.s32 $0xE0  }
0xe0: {  	[tilespmem:s3], [sflag:$0x5] =	stream.linear.gather [spmem:s2], $0x20, $0x38;
	[tilespmem:$0x11A60] =	vst v63  }
.Ltmp7:
0xe1: {  	_ = 	snop;
	(pc) =	sbr.rel .LBB2_12-.Ltmp7, $4  }
0xe2: {  	_ =	swait.ge [sflag:s0], $0x40  }
0xe3: {  	[sflag:s0] =	ssyncset.done $0x0  }
0xe4: {  	s31 =	simm.s32 $0x6;
	[sflag:s0] =	ssyncadd.s32 $0xFFFFFFC0  }
0xe5: {  	s4 =	simm.s32 $0x0;
	[sflag:s31] =	ssyncpa.u1 $0x0  }
.LBB2_17:
0xe6: {  	p0 =	sgt.u32 s5, $0x27FF  }
0xe7: {  	s0 =	sshrl.u32 @!p0 s5, $0x3  }
0xe8: {  	s5 =	sand.u32 @!p0 $0x7, s5;
	s6 =	simm.s32 @!p0 $0xB0;
	s0 =	sadd.s32 @!p0 s1, s0  }
0xe9: {  	[tilespmem:s6], [sflag:$0x6] =	stream.linear.gather @!p0 [hbm4b:s0+s5], $0x1, $0x38;
	[tilespmem:$0x11A60] =	vst v63  }
0xea: {  	s0 =	simm.s32 @!p0 $0x6  }
0xeb: {  	_ =	swait.ge @!p0 [sflag:s0], $0x1  }
0xec: {  	[sflag:s0] =	ssyncset.done @!p0 $0x0  }
0xed: {  	[sflag:s0] =	ssyncadd.s32 @!p0 $0xFFFFFFFF  }
0xee: {  	v2 =	vmov @!p0 s4;
	v1 =	vld.msk @!p0 [tilespmem:$0xB0], $0x1;
	_ =	sdelay $0x3  }
0xef: {  	s0 =	simm.s32 @!p0 $0xE0  }
0xf0: {  	[tilespmem:v2+s0+$0x0], v1 =	vst.idx.ret.add.f32.msk @!p0 $0x1, v1  }
0xf1: {  	[tilespmem:s2+$0xC0] =	vst.msk $0x1, v0  }
0xf2: {  	v0 =	vld.msk [tilespmem:s4+$0xE0], $0x1;
	_ =	sdelay $0x4  }
0xf3: {  	[tilespmem:s2+$0xE0] =	vst.msk $0x1, v0;
	s2 =	sadd.s32 $0x1, s2  }
.LBB2_19:
0xf4: {  	s4 =	sadd.s32 $0x1, s4  }
0xf5: {  	p0 =	sne.s32 s4, $0x20  }
.Ltmp8:
0xf6: {  	_ = 	snop;
	(pc) =	sbr.rel @!p0 .LBB2_20-.Ltmp8, $1  }
0xf7: {  	_ =	sdelay $0x3  }
.LBB2_12:
0xf8: {  	v0 =	vld.msk [tilespmem:s4+$0xC0], $0x1;
	_ =	sdelay $0x4  }
0xf9: {  	(v2sf) =	vpush v0, $0x0;
	_ =	sdelay $0xe  }
0xfa: {  	s5 =	spop (v2sf)  }
0xfb: {  	p0 =	seq.s32 s5, $0xFFFFFFFF  }
.Ltmp9:
0xfc: {  	_ = 	snop;
	(pc) =	sbr.rel @p0 .LBB2_19-.Ltmp9, $1  }
0xfd: {  	_ =	sdelay $0x3  }
0xfe: {  	p0 =	slt.s32 s2, $0x1  }
.Ltmp10:
0xff: {  	_ = 	snop;
	(pc) =	sbr.rel @p0 .LBB2_17-.Ltmp10, $1  }
0x100: {  	_ =	sdelay $0x3  }
0x101: {  	s0 =	simm.s32 $0xC0;
	p0 =	por $0x0, $0x0  }
0x102: {  	v1 =	vld.msk @!p0 [tilespmem:s0+$0x0], $0x1;
	_ =	sdelay $0x4  }
0x103: {  	(v2sf) =	vpush @!p0 v1, $0x0;
	_ =	sdelay $0xd  }
0x104: {  	p2 =	sne.s32 s2, $0x1  }
.Ltmp11:
0x105: {  	s6 =	spop @!p0 (v2sf);
	(pc) =	sbr.rel @!p2 .LBB2_16-.Ltmp11, $4  }
0x106: {  	p1 =	seq.s32 @!p0 s5, s6  }
0x107: {  	s6 =	simm.s32 $0x0;
	p1 =	por !p1, p0  }
0x108: {  	s8 =	simm.s32 $0xFFFFFFFF;
	s6 =	simm.s32 @p1 $0xFFFFFFFF  }
0x109: {  	s7 =	simm.s32 $0x1;
	s6 =	smov.u32 @p0 s8  }
.LBB2_15:
0x10a: {  	s8 =	smov.u32 s6;
	p0 =	sne.s32 s6, $0xFFFFFFFF  }
0x10b: {  	s0 =	sadd.s32 $0x1, s0;
	s6 =	smov.u32 s7;
	s7 =	sadd.s32 $0x1, s7  }
0x10c: {  	p1 =	sne.s32 s2, s7;
	v1 =	vld.msk @!p0 [tilespmem:s0+$0x0], $0x1;
	_ =	sdelay $0x4  }
0x10d: {  	(v2sf) =	vpush @!p0 v1, $0x0;
	_ =	sdelay $0xe  }
.Ltmp12:
0x10e: {  	s9 =	spop @!p0 (v2sf);
	(pc) =	sbr.rel @p1 .LBB2_15-.Ltmp12, $4  }
0x10f: {  	p2 =	seq.s32 @!p0 s5, s9  }
0x110: {  	p2 =	por !p2, p0  }
0x111: {  	s6 =	simm.s32 @p2 $0xFFFFFFFF  }
0x112: {  	s6 =	smov.u32 @p0 s8  }
.LBB2_16:
0x113: {  	p0 =	sne.s32 s6, $0xFFFFFFFF  }
.Ltmp13:
0x114: {  	_ = 	snop;
	(pc) =	sbr.rel @!p0 .LBB2_17-.Ltmp13, $1  }
0x115: {  	_ =	sdelay $0x3  }
0x116: {  	v0 =	vld.msk [tilespmem:s4+$0xE0], $0x1;
	v1 =	vmov s6  }
.Ltmp14:
0x117: {  	_ = 	snop;
	(pc) =	sbr.rel .LBB2_19-.Ltmp14, $2  }
0x118: {  	_ =	sdelay $0x2  }
0x119: {  	[tilespmem:v1+s3+$0x0], v0 =	vst.idx.ret.add.f32.msk $0x1, v0  }
.LBB2_20:
0x11a: {  	p0 =	slt.s32 s2, $0x1  }
.Ltmp15:
0x11b: {  	_ = 	snop;
	(pc) =	sbr.rel @p0 .LBB2_24-.Ltmp15, $3  }
0x11c: {  	_ =	sdelay $0x1  }
0x11d: {  	s0 =	simm.s32 $0x6  }
0x11e: {  	s3 =	simm.s32 $0x0;
	[sflag:s0] =	ssyncpa.u1 $0x1  }
0x11f: {  	s0 =	simm.s32 $0xC0  }
0x120: {  	v0 =	vld.msk [tilespmem:s0+$0x0], $0x1;
	_ =	sdelay $0x4  }
0x121: {  	(v2sf) =	vpush v0, $0x0;
	_ =	sdelay $0xe  }
0x122: {  	s2 =	sadd.s32 $0xFFFFFFFF, s2;
	s4 =	spop (v2sf)  }
0x123: {  	p1 =	sne.s32 s2, $0x0;
	p0 =	sgt.u32 s4, $0x27FF  }
.Ltmp16:
0x124: {  	s5 =	sshrl.u32 @!p0 s4, $0x3;
	(pc) =	sbr.rel @!p1 .LBB2_23-.Ltmp16, $4  }
0x125: {  	s0 =	simm.s32 $0xE0;
	s4 =	sand.u32 @!p0 $0x7, s4;
	s5 =	sadd.s32 @!p0 s1, s5  }
0x126: {  	[hbm4b:s5+s4] =	stream.linear.scatter @!p0 [tilespmem:s0], [sflag:$0x5], $0x1, $0x38;
	[tilespmem:$0x11A60] =	vst v63  }
0x127: {  	s5 =	simm.s32 $0x0  }
0x128: {  	s4 =	simm.s32 $0xC1;
	s5 =	simm.s32 @!p0 $0x4  }
.LBB2_22:
0x129: {  	v0 =	vld.msk [tilespmem:s4+$0x0], $0x1;
	s2 =	sadd.s32 $0xFFFFFFFF, s2;
	s3 =	sadd.s32 s3, s5  }
0x12a: {  	p0 =	sne.s32 s2, $0x0;
	_ =	sdelay $0x3  }
0x12b: {  	(v2sf) =	vpush v0, $0x0;
	_ =	sdelay $0xe  }
.Ltmp17:
0x12c: {  	s6 =	spop (v2sf);
	(pc) =	sbr.rel @p0 .LBB2_22-.Ltmp17, $4  }
0x12d: {  	s5 =	simm.s32 $0x0;
	p1 =	sgt.u32 s6, $0x27FF  }
0x12e: {  	s0 =	sadd.s32 $0x1, s0;
	s5 =	simm.s32 @!p1 $0x4;
	s7 =	sshrl.u32 @!p1 s6, $0x3  }
0x12f: {  	s4 =	sadd.s32 $0x1, s4;
	s6 =	sand.u32 @!p1 $0x7, s6;
	s7 =	sadd.s32 @!p1 s1, s7  }
0x130: {  	[hbm4b:s7+s6] =	stream.linear.scatter @!p1 [tilespmem:s0], [sflag:$0x5], $0x1, $0x38;
	[tilespmem:$0x11A60] =	vst v63  }
.LBB2_23:
0x131: {  	s0 =	sadd.s32 s3, s5  }
0x132: {  	s3 =	sshrl.u32 s0, $0x2  }
.LBB2_24:
0x133: {  	s0 =	simm.s32 $0x5  }
0x134: {  	_ =	swait.ge [sflag:s0], s3  }
0x135: {  	s1 =	ssub.s32 $0x0, s3;
	[sflag:s0] =	ssyncset.done $0x0  }
0x136: {  	[sflag:s0] =	ssyncadd.s32 s1  }
0x137: {  	[sflag:s0] =	ssyncpa.u1 $0x1  }
0x138: {  	s29 =	simm.s32 $0x1;
	_ =	sfence  }
0x139: {  	s30 =	simm.s32 $0x2;
	[sflag:s29] =	ssyncpa.u1 $0x1  }
0x13a: {  	[sflag:s30] =	ssyncpa.u1 $0x1  }
0x13b: {  	_ =	strace $0x90000047  }
0x13c: {  	[bflag:$0x2] =	sbarrier.arrive $0xFFFF  }
0x13d: {  	s31 =	rddreg [dreg:$0x1]  }
0x13e: {  	s0 =	sadd.s32 $0x100000, s31  }
0x13f: {  	[sflag:s0] =	ssyncadd.tile.s32 $0x1;
	_ =	shalt  }
.Lfunc_end2:
_tile_overlayer_lowered:
.L_overlay_start_2:
0x140: {  	(tag) =	ssettag $0x2  }
0x141: {  	s0 =	rddreg [dreg:$0x0];
	s2 =	stileid.u32  }
0x142: {  	s1 =	rddreg [dreg:$0x1];
	p0 =	sne.s32 s2, $0x0  }
0x143: {  	s3 =	rddreg [dreg:$0x2];
	[bflag:$0x3] =	sbarrier.arrive $0xFFFF;
	s2 =	simm.s32 @!p0 $0x1C01  }
0x144: {  	[timem:s3], [sflag:s2] =	dma.local @!p0 [hbm:s0], s1  }
0x145: {  	s0 =	simm.s32 @!p0 $0x1  }
0x146: {  	_ =	swait.ge @!p0 [sflag:s0], s1  }
0x147: {  	s1 =	ssub.s32 @!p0 $0x0, s1;
	[sflag:s0] =	ssyncset.done @!p0 $0x0  }
0x148: {  	[sflag:s0] =	ssyncadd.s32 @!p0 s1  }
0x149: {  	[bflag:$0x3] =	sbarrier.arrive $0xFFFF  }
0x14a: {  	_ =	shalt  }

</sc_bundles>
